<compile_context>
chip_gen: v7x
topology: tpu7x:2x2x1
jax: 0.10.2.dev20260603
libtpu: 0.0.44.dev20260713+nightly
codegen_flags: <defaults>
</compile_context>

<pallas_src>
import functools
import math

import jax
import jax.numpy as jnp
from jax import lax
from jax.experimental import pallas as pl
from jax.experimental.pallas import tpu as pltpu
from jax.experimental.pallas import tpu_sc as plsc

_TOP_K = 2
_CAP_FACTOR = 1.6
_NOISE_STD = 0.02

_TB = 1024


def _pack_halves(lo, hi):
    lo_b = lax.bitcast_convert_type(
        lo.astype(jnp.bfloat16).astype(jnp.float32), jnp.int32)
    hi_b = lax.bitcast_convert_type(
        hi.astype(jnp.bfloat16).astype(jnp.float32), jnp.int32)
    return lax.shift_right_logical(lo_b, 16) | (hi_b & jnp.int32(-65536))


def _unpack_halves(w):
    lo = lax.bitcast_convert_type(lax.shift_left(w, 16), jnp.float32)
    hi = lax.bitcast_convert_type(w & jnp.int32(-65536), jnp.float32)
    return lo, hi


def _router_body(caps, x_ref, rw_ref, rb_ref, noise_ref, out_ref, xbf_ref, counts_ref):
    cap, stride, dump = caps
    tb = x_ref.shape[0]
    e = rw_ref.shape[0]

    @pl.when(pl.program_id(0) == 0)
    def _():
        counts_ref[...] = jnp.zeros_like(counts_ref)

    logits = lax.dot_general(
        rw_ref[...], x_ref[...],
        dimension_numbers=(((1,), (1,)), ((), ())),
        preferred_element_type=jnp.float32,
    )
    logits = logits + rb_ref[...]
    logits = logits + noise_ref[...]

    m = jnp.max(logits, axis=0, keepdims=True)
    el = jnp.exp(logits - m)
    p = el / jnp.sum(el, axis=0, keepdims=True)

    iota_e = lax.broadcasted_iota(jnp.int32, (e, tb), 0)
    big = jnp.int32(1 << 20)

    m1 = jnp.max(p, axis=0, keepdims=True)
    top1 = jnp.min(jnp.where(p == m1, iota_e, big), axis=0, keepdims=True)
    oh1 = iota_e == top1
    p2m = jnp.where(oh1, jnp.float32(-1.0), p)
    m2 = jnp.max(p2m, axis=0, keepdims=True)
    top2 = jnp.min(jnp.where(p2m == m2, iota_e, big), axis=0, keepdims=True)
    oh2 = iota_e == top2

    sel = jnp.logical_or(oh1, oh2).astype(jnp.float32)

    tr = lax.broadcasted_iota(jnp.int32, (tb, tb), 0)
    tc = lax.broadcasted_iota(jnp.int32, (tb, tb), 1)
    mstrict = (tr < tc).astype(jnp.bfloat16)
    excl = lax.dot_general(
        sel.astype(jnp.bfloat16), mstrict,
        dimension_numbers=(((1,), (0,)), ((), ())),
        preferred_element_type=jnp.float32,
    )

    base = counts_ref[:, 0:1]
    ranks = excl + base
    counts_ref[...] = jnp.broadcast_to(
        base + jnp.sum(sel, axis=1, keepdims=True), counts_ref.shape)

    r1 = jnp.sum(jnp.where(oh1, ranks, 0.0), axis=0, keepdims=True).astype(jnp.int32)
    r2 = jnp.sum(jnp.where(oh2, ranks, 0.0), axis=0, keepdims=True).astype(jnp.int32)

    cov1 = r1 < cap
    cov2 = r2 < cap
    win2 = jnp.logical_and(cov2, jnp.logical_or(jnp.logical_not(cov1), top2 > top1))
    tsrc = jnp.where(
        win2, top2 * stride + r2,
        jnp.where(cov1, top1 * stride + r1, dump))

    out_ref[0] = tsrc
    half = x_ref.shape[1] // 2
    xv = x_ref[...]
    xbf_ref[...] = _pack_halves(xv[:, :half], xv[:, half:])


def _mlp_body(xg_ref, w1_ref, b1_ref, w2_ref, b2_ref, out_ref):
    last = pl.num_programs(0) - 1

    @pl.when(pl.program_id(0) == last)
    def _():
        out_ref[...] = jnp.zeros_like(out_ref)

    @pl.when(pl.program_id(0) < last)
    def _():
        x32 = xg_ref[...]
        half = x32.shape[1]
        flo, fhi = _unpack_halves(x32)
        xlo = flo.astype(jnp.bfloat16)
        xhi = fhi.astype(jnp.bfloat16)
        w1b = w1_ref[0].astype(jnp.bfloat16)
        h = lax.dot_general(
            xlo, w1b[:, :half],
            dimension_numbers=(((1,), (1,)), ((), ())),
            preferred_element_type=jnp.float32,
        ) + lax.dot_general(
            xhi, w1b[:, half:],
            dimension_numbers=(((1,), (1,)), ((), ())),
            preferred_element_type=jnp.float32,
        )
        h = h + b1_ref[0]
        g = 0.5 * h * (1.0 + lax.erf(h * 0.7071067811865476))
        y = lax.dot_general(
            g.astype(jnp.bfloat16), w2_ref[0].astype(jnp.bfloat16),
            dimension_numbers=(((1,), (1,)), ((), ())),
            preferred_element_type=jnp.float32,
        )
        yb = y + b2_ref[0]
        out_ref[...] = _pack_halves(yb[:, :half], yb[:, half:])


def _unpack_body(yp_ref, out_ref):
    w = yp_ref[...]
    half = w.shape[1]
    lo, hi = _unpack_halves(w)
    out_ref[:, :half] = lo
    out_ref[:, half:] = hi


def kernel(x, router_w, router_b, w1, b1, w2, b2):
    bs, s, d = x.shape
    e, dff = w1.shape[0], w1.shape[1]
    t = bs * s
    cap = math.ceil(t * _CAP_FACTOR / e)
    stride = (cap + 7) // 8 * 8
    nslot = e * stride
    dump = nslot
    xg_rows = (e + 1) * stride

    xf = x.reshape(t, d)
    nb = t // _TB

    noise_t = (jax.random.normal(jax.random.key(42), (t, e), jnp.float32)
               * _NOISE_STD).T
    rb_col = router_b.reshape(e, 1)

    slots = pl.pallas_call(
        functools.partial(_router_body, (cap, stride, dump)),
        grid=(nb,),
        in_specs=[
            pl.BlockSpec((_TB, d), lambda i: (i, 0)),
            pl.BlockSpec((e, d), lambda i: (0, 0)),
            pl.BlockSpec((e, 1), lambda i: (0, 0)),
            pl.BlockSpec((e, _TB), lambda i: (0, i)),
        ],
        out_specs=[
            pl.BlockSpec((1, 1, _TB), lambda i: (i, 0, 0)),
            pl.BlockSpec((_TB, d // 2), lambda i: (i, 0)),
        ],
        out_shape=[
            jax.ShapeDtypeStruct((nb, 1, _TB), jnp.int32),
            jax.ShapeDtypeStruct((t, d // 2), jnp.int32),
        ],
        scratch_shapes=[pltpu.VMEM((e, 128), jnp.float32)],
    )(xf, router_w, rb_col, noise_t)

    slots, xbf = slots
    tsrc = slots.reshape(t)

    info = plsc.get_sparse_core_info()
    nw = info.num_cores * info.num_subcores
    tok_per_w = t // nw
    mesh = plsc.VectorSubcoreMesh(core_axis_name="c", subcore_axis_name="s")

    def _sc_scratch(dt, dd, chunk, nbuf):
        return ([pltpu.VMEM((chunk, dd), dt) for _ in range(nbuf)]
                + [pltpu.VMEM((chunk,), jnp.int32) for _ in range(nbuf)]
                + [pltpu.SemaphoreType.DMA for _ in range(2 * nbuf)])

    @functools.partial(
        pl.kernel,
        out_type=jax.ShapeDtypeStruct((xg_rows, d // 2), jnp.int32),
        mesh=mesh,
        scratch_types=_sc_scratch(jnp.int32, d // 2, 32, 4),
    )
    def dispatch(x_hbm, ts_hbm, xg_hbm, *scr):
        chunk, nbuf, depth = 32, 4, 3
        nch = tok_per_w // chunk
        bufs, ibufs = scr[:nbuf], scr[nbuf:2 * nbuf]
        slds, ssts = scr[2 * nbuf:3 * nbuf], scr[3 * nbuf:]
        wid = lax.axis_index("s") * info.num_cores + lax.axis_index("c")
        w0 = wid * tok_per_w
        lds = [None] * nch
        sts = [None] * nch
        for k in range(depth):
            pltpu.sync_copy(ts_hbm.at[pl.ds(w0 + k * chunk, chunk)], ibufs[k])
            lds[k] = pltpu.async_copy(
                x_hbm.at[pl.ds(w0 + k * chunk, chunk)], bufs[k], slds[k])
        for c in range(nch):
            b = c % nbuf
            if c + depth < nch:
                nb_ = (c + depth) % nbuf
                if c >= 1:
                    sts[c - 1].wait()
                base = w0 + (c + depth) * chunk
                pltpu.sync_copy(ts_hbm.at[pl.ds(base, chunk)], ibufs[nb_])
                lds[c + depth] = pltpu.async_copy(
                    x_hbm.at[pl.ds(base, chunk)], bufs[nb_], slds[nb_])
            lds[c].wait()
            sts[c] = pltpu.async_copy(bufs[b], xg_hbm.at[ibufs[b]], ssts[b])
        for c in range(max(0, nch - depth - 1), nch):
            sts[c].wait()

    xg = dispatch(xbf, tsrc)

    b1r = b1.reshape(e, 1, dff)
    b2r = b2.reshape(e, 1, d)
    yg = pl.pallas_call(
        _mlp_body,
        grid=(e + 1,),
        in_specs=[
            pl.BlockSpec((stride, d // 2), lambda i: (i, 0)),
            pl.BlockSpec((1, dff, d), lambda i: (jnp.minimum(i, e - 1), 0, 0)),
            pl.BlockSpec((1, 1, dff), lambda i: (jnp.minimum(i, e - 1), 0, 0)),
            pl.BlockSpec((1, d, dff), lambda i: (jnp.minimum(i, e - 1), 0, 0)),
            pl.BlockSpec((1, 1, d), lambda i: (jnp.minimum(i, e - 1), 0, 0)),
        ],
        out_specs=pl.BlockSpec((stride, d // 2), lambda i: (i, 0)),
        out_shape=jax.ShapeDtypeStruct((xg_rows, d // 2), jnp.int32),
        compiler_params=pltpu.CompilerParams(
            dimension_semantics=("arbitrary",)),
    )(xg, w1, b1r, w2, b2r)

    @functools.partial(
        pl.kernel,
        out_type=jax.ShapeDtypeStruct((t, d // 2), jnp.int32),
        mesh=mesh,
        scratch_types=_sc_scratch(jnp.int32, d // 2, 32, 4),
    )
    def combine(yg_hbm, ts_hbm, out_hbm, *scr):
        chunk, nbuf, depth = 32, 4, 3
        nch = tok_per_w // chunk
        bufs, ibufs = scr[:nbuf], scr[nbuf:2 * nbuf]
        sgs, ssts = scr[2 * nbuf:3 * nbuf], scr[3 * nbuf:]
        wid = lax.axis_index("s") * info.num_cores + lax.axis_index("c")
        w0 = wid * tok_per_w
        gs = [None] * nch
        sts = [None] * nch
        for k in range(depth):
            pltpu.sync_copy(ts_hbm.at[pl.ds(w0 + k * chunk, chunk)], ibufs[k])
            gs[k] = pltpu.async_copy(yg_hbm.at[ibufs[k]], bufs[k], sgs[k])
        for c in range(nch):
            b = c % nbuf
            if c + depth < nch:
                nb_ = (c + depth) % nbuf
                if c >= 1:
                    sts[c - 1].wait()
                base = w0 + (c + depth) * chunk
                pltpu.sync_copy(ts_hbm.at[pl.ds(base, chunk)], ibufs[nb_])
                gs[c + depth] = pltpu.async_copy(
                    yg_hbm.at[ibufs[nb_]], bufs[nb_], sgs[nb_])
            gs[c].wait()
            sts[c] = pltpu.async_copy(
                bufs[b], out_hbm.at[pl.ds(w0 + c * chunk, chunk)], ssts[b])
        for c in range(max(0, nch - depth - 1), nch):
            sts[c].wait()

    outp = combine(yg, tsrc)

    out = pl.pallas_call(
        _unpack_body,
        grid=(nb,),
        in_specs=[pl.BlockSpec((_TB, d // 2), lambda i: (i, 0))],
        out_specs=pl.BlockSpec((_TB, d), lambda i: (i, 0)),
        out_shape=jax.ShapeDtypeStruct((t, d), jnp.float32),
    )(outp)
    return out.reshape(bs, s, d)

# --- scband reference (transcript-rebuilt; emitter-appended) ---
"""Pipeline reference for scband-mo-elayer-32469952757764 (READ-ONLY COPY).

The authoritative reference and input builder live on the scoring server;
editing this copy changes nothing except your own understanding.
"""

import jax, jax.numpy as jnp
import numpy as np
import math

B = 1
S = 8192
D_MODEL = 768
D_FF = 2048
E = 64
TOP_K = 2
CAP_FACTOR = 1.6  # n_experts > 6 branch in torch __init__
NOISE_STD = 0.02  # n_experts > 6 branch in torch __init__


def setup_inputs(seed: int = 0) -> dict:
    key = jax.random.key(seed)
    ks = jax.random.split(key, 8)
    x = jax.random.normal(ks[0], (B, S, D_MODEL), dtype=jnp.float32)
    router_w = jax.random.normal(ks[1], (E, D_MODEL), dtype=jnp.float32) * 0.02
    router_b = jnp.zeros((E,), dtype=jnp.float32)
    w1 = jax.random.normal(ks[2], (E, D_FF, D_MODEL), dtype=jnp.float32) * 0.02
    b1 = jnp.zeros((E, D_FF), dtype=jnp.float32)
    w2 = jax.random.normal(ks[3], (E, D_MODEL, D_FF), dtype=jnp.float32) * 0.02
    b2 = jnp.zeros((E, D_MODEL), dtype=jnp.float32)
    return {"x": x, "router_w": router_w, "router_b": router_b,
            "w1": w1, "b1": b1, "w2": w2, "b2": b2}


def reference(x, router_w, router_b, w1, b1, w2, b2):
    Bs, Ss, D = x.shape
    x_flat = x.reshape(-1, D)
    # router (nn.Linear): y = x @ W.T + b
    router_logits = x_flat @ router_w.T + router_b
    # noise_std > 0: add gaussian noise to router logits (fixed key for determinism)
    noise = jax.random.normal(jax.random.key(42), router_logits.shape, router_logits.dtype) * NOISE_STD
    router_logits = router_logits + noise
    router_probs = jax.nn.softmax(router_logits, axis=-1)
    top_k_probs, top_k_indices = jax.lax.top_k(router_probs, TOP_K)
    # normalized but (faithfully to the torch code) never applied to the output
    top_k_probs = top_k_probs / top_k_probs.sum(axis=-1, keepdims=True)
    T = x_flat.shape[0]
    capacity = math.ceil(T * CAP_FACTOR / E)
    # pad row T so capacity-padded gathers/scatters are no-ops on real tokens
    x_pad = jnp.concatenate([x_flat, jnp.zeros((1, D), dtype=x_flat.dtype)], axis=0)
    out_pad = jnp.zeros((T + 1, D), dtype=x_flat.dtype)
    for i in range(E):
        expert_token_mask = (top_k_indices == i).any(axis=-1)
        # first `capacity` selected token indices, padded with T (matches torch truncation)
        idx = jnp.nonzero(expert_token_mask, size=capacity, fill_value=T)[0]
        expert_input = x_pad[idx]
        h = jax.nn.gelu(expert_input @ w1[i].T + b1[i], approximate=False)  # F.gelu default = exact erf
        expert_output = h @ w2[i].T + b2[i]
        # dropout in eval mode is identity
        out_pad = out_pad.at[idx].set(expert_output)  # scatter-overwrite, matching torch output[token_indices] = ...
    return out_pad[:T].reshape(Bs, Ss, D)

if __name__ == "__main__":
    import jax
    _d = setup_inputs()
    print(jax.jit(kernel)(*tuple(_d.values())))

</pallas_src>

<mosaic_0001>
#map = affine_map<(d0, d1) -> (0, 0)>
#map1 = affine_map<(d0, d1) -> (0)>
module attributes {stable_mosaic.version = 14 : i64} {
  func.func @dispatch(%arg0: i32, %arg1: i32, %arg2: memref<8192x384xi32, #tpu.memory_space<hbm>>, %arg3: memref<8192xi32, #tpu.memory_space<hbm>>, %arg4: memref<13520x384xi32, #tpu.memory_space<hbm>>, %arg5: memref<32x384xi32, #tpu.memory_space<vmem>>, %arg6: memref<32x384xi32, #tpu.memory_space<vmem>>, %arg7: memref<32x384xi32, #tpu.memory_space<vmem>>, %arg8: memref<32x384xi32, #tpu.memory_space<vmem>>, %arg9: memref<32xi32, #tpu.memory_space<vmem>>, %arg10: memref<32xi32, #tpu.memory_space<vmem>>, %arg11: memref<32xi32, #tpu.memory_space<vmem>>, %arg12: memref<32xi32, #tpu.memory_space<vmem>>, %arg13: memref<!tpu.dma_semaphore, #tpu.memory_space<semaphore_mem>>, %arg14: memref<!tpu.dma_semaphore, #tpu.memory_space<semaphore_mem>>, %arg15: memref<!tpu.dma_semaphore, #tpu.memory_space<semaphore_mem>>, %arg16: memref<!tpu.dma_semaphore, #tpu.memory_space<semaphore_mem>>, %arg17: memref<!tpu.dma_semaphore, #tpu.memory_space<semaphore_mem>>, %arg18: memref<!tpu.dma_semaphore, #tpu.memory_space<semaphore_mem>>, %arg19: memref<!tpu.dma_semaphore, #tpu.memory_space<semaphore_mem>>, %arg20: memref<!tpu.dma_semaphore, #tpu.memory_space<semaphore_mem>>) attributes {dimension_semantics = [#tpu.dimension_semantics<core_parallel>, #tpu.dimension_semantics<subcore_parallel>], iteration_bounds = array<i64: 2, 16>, scalar_prefetch = 0 : i64, scratch_operands = 16 : i64, tpu.core_type = #tpu.core_type<sc_vector_subcore>, window_params = [{transform_indices = #map}, {transform_indices = #map1}, {transform_indices = #map}]} {
    %mul3A = arith.constant 2 : i32
    %mul3A_0 = arith.muli %arg1, %mul3A : i32
    %add3A = arith.addi %mul3A_0, %arg0 : i32
    %mul3A_1 = arith.constant 256 : i32
    %mul3A_2 = arith.muli %add3A, %mul3A_1 : i32
    %add3A_3 = arith.constant 0 : i32
    %add3A_4 = arith.addi %mul3A_2, %add3A_3 : i32
    "tpu.region"() ({
      %run_scoped3A = tpu.sem_alloc : memref<!tpu.dma_semaphore, #tpu.memory_space<semaphore_mem>>
      %dma_start3A_135 = tpu.memref_slice %arg3[%add3A_4] : memref<8192xi32, #tpu.memory_space<hbm>> -> memref<32xi32, #tpu.memory_space<hbm>>
      %dma_start3A_136 = tpu.memref_slice %arg3[%add3A_4] : memref<8192xi32, #tpu.memory_space<hbm>> -> memref<32xi32, #tpu.memory_space<hbm>>
      tpu.enqueue_dma source(%dma_start3A_136 : memref<32xi32, #tpu.memory_space<hbm>>) target(%arg9 : memref<32xi32, #tpu.memory_space<vmem>>) target_semaphore(%run_scoped3A : memref<!tpu.dma_semaphore, #tpu.memory_space<semaphore_mem>>)
      %dma_wait3A_137 = tpu.memref_slice %arg3[%add3A_4] : memref<8192xi32, #tpu.memory_space<hbm>> -> memref<32xi32, #tpu.memory_space<hbm>>
      %dma_wait3A_138 = tpu.memref_slice %arg3[%add3A_4] : memref<8192xi32, #tpu.memory_space<hbm>> -> memref<32xi32, #tpu.memory_space<hbm>>
      tpu.wait_dma2 semaphore(%run_scoped3A : memref<!tpu.dma_semaphore, #tpu.memory_space<semaphore_mem>>) src(%dma_wait3A_138 : memref<32xi32, #tpu.memory_space<hbm>>) dst(%arg9 : memref<32xi32, #tpu.memory_space<vmem>>)
      tpu.yield
    }) : () -> ()
    %add3A_5 = arith.constant 0 : i32
    %add3A_6 = arith.addi %mul3A_2, %add3A_5 : i32
    %dma_start3A = arith.constant 0 : i32
    %dma_start3A_7 = tpu.memref_slice %arg2[%add3A_6, %dma_start3A] : memref<8192x384xi32, #tpu.memory_space<hbm>> -> memref<32x384xi32, #tpu.memory_space<hbm>>
    %dma_start3A_8 = arith.constant 0 : i32
    %dma_start3A_9 = tpu.memref_slice %arg2[%add3A_6, %dma_start3A_8] : memref<8192x384xi32, #tpu.memory_space<hbm>> -> memref<32x384xi32, #tpu.memory_space<hbm>>
    tpu.enqueue_dma source(%dma_start3A_9 : memref<32x384xi32, #tpu.memory_space<hbm>>) target(%arg5 : memref<32x384xi32, #tpu.memory_space<vmem>>) target_semaphore(%arg13 : memref<!tpu.dma_semaphore, #tpu.memory_space<semaphore_mem>>)
    %add3A_10 = arith.constant 32 : i32
    %add3A_11 = arith.addi %mul3A_2, %add3A_10 : i32
    "tpu.region"() ({
      %run_scoped3A = tpu.sem_alloc : memref<!tpu.dma_semaphore, #tpu.memory_space<semaphore_mem>>
      %dma_start3A_135 = tpu.memref_slice %arg3[%add3A_11] : memref<8192xi32, #tpu.memory_space<hbm>> -> memref<32xi32, #tpu.memory_space<hbm>>
      %dma_start3A_136 = tpu.memref_slice %arg3[%add3A_11] : memref<8192xi32, #tpu.memory_space<hbm>> -> memref<32xi32, #tpu.memory_space<hbm>>
      tpu.enqueue_dma source(%dma_start3A_136 : memref<32xi32, #tpu.memory_space<hbm>>) target(%arg10 : memref<32xi32, #tpu.memory_space<vmem>>) target_semaphore(%run_scoped3A : memref<!tpu.dma_semaphore, #tpu.memory_space<semaphore_mem>>)
      %dma_wait3A_137 = tpu.memref_slice %arg3[%add3A_11] : memref<8192xi32, #tpu.memory_space<hbm>> -> memref<32xi32, #tpu.memory_space<hbm>>
      %dma_wait3A_138 = tpu.memref_slice %arg3[%add3A_11] : memref<8192xi32, #tpu.memory_space<hbm>> -> memref<32xi32, #tpu.memory_space<hbm>>
      tpu.wait_dma2 semaphore(%run_scoped3A : memref<!tpu.dma_semaphore, #tpu.memory_space<semaphore_mem>>) src(%dma_wait3A_138 : memref<32xi32, #tpu.memory_space<hbm>>) dst(%arg10 : memref<32xi32, #tpu.memory_space<vmem>>)
      tpu.yield
    }) : () -> ()
    %add3A_12 = arith.constant 32 : i32
    %add3A_13 = arith.addi %mul3A_2, %add3A_12 : i32
    %dma_start3A_14 = arith.constant 0 : i32
    %dma_start3A_15 = tpu.memref_slice %arg2[%add3A_13, %dma_start3A_14] : memref<8192x384xi32, #tpu.memory_space<hbm>> -> memref<32x384xi32, #tpu.memory_space<hbm>>
    %dma_start3A_16 = arith.constant 0 : i32
    %dma_start3A_17 = tpu.memref_slice %arg2[%add3A_13, %dma_start3A_16] : memref<8192x384xi32, #tpu.memory_space<hbm>> -> memref<32x384xi32, #tpu.memory_space<hbm>>
    tpu.enqueue_dma source(%dma_start3A_17 : memref<32x384xi32, #tpu.memory_space<hbm>>) target(%arg6 : memref<32x384xi32, #tpu.memory_space<vmem>>) target_semaphore(%arg14 : memref<!tpu.dma_semaphore, #tpu.memory_space<semaphore_mem>>)
    %add3A_18 = arith.constant 64 : i32
    %add3A_19 = arith.addi %mul3A_2, %add3A_18 : i32
    "tpu.region"() ({
      %run_scoped3A = tpu.sem_alloc : memref<!tpu.dma_semaphore, #tpu.memory_space<semaphore_mem>>
      %dma_start3A_135 = tpu.memref_slice %arg3[%add3A_19] : memref<8192xi32, #tpu.memory_space<hbm>> -> memref<32xi32, #tpu.memory_space<hbm>>
      %dma_start3A_136 = tpu.memref_slice %arg3[%add3A_19] : memref<8192xi32, #tpu.memory_space<hbm>> -> memref<32xi32, #tpu.memory_space<hbm>>
      tpu.enqueue_dma source(%dma_start3A_136 : memref<32xi32, #tpu.memory_space<hbm>>) target(%arg11 : memref<32xi32, #tpu.memory_space<vmem>>) target_semaphore(%run_scoped3A : memref<!tpu.dma_semaphore, #tpu.memory_space<semaphore_mem>>)
      %dma_wait3A_137 = tpu.memref_slice %arg3[%add3A_19] : memref<8192xi32, #tpu.memory_space<hbm>> -> memref<32xi32, #tpu.memory_space<hbm>>
      %dma_wait3A_138 = tpu.memref_slice %arg3[%add3A_19] : memref<8192xi32, #tpu.memory_space<hbm>> -> memref<32xi32, #tpu.memory_space<hbm>>
      tpu.wait_dma2 semaphore(%run_scoped3A : memref<!tpu.dma_semaphore, #tpu.memory_space<semaphore_mem>>) src(%dma_wait3A_138 : memref<32xi32, #tpu.memory_space<hbm>>) dst(%arg11 : memref<32xi32, #tpu.memory_space<vmem>>)
      tpu.yield
    }) : () -> ()
    %add3A_20 = arith.constant 64 : i32
    %add3A_21 = arith.addi %mul3A_2, %add3A_20 : i32
    %dma_start3A_22 = arith.constant 0 : i32
    %dma_start3A_23 = tpu.memref_slice %arg2[%add3A_21, %dma_start3A_22] : memref<8192x384xi32, #tpu.memory_space<hbm>> -> memref<32x384xi32, #tpu.memory_space<hbm>>
    %dma_start3A_24 = arith.constant 0 : i32
    %dma_start3A_25 = tpu.memref_slice %arg2[%add3A_21, %dma_start3A_24] : memref<8192x384xi32, #tpu.memory_space<hbm>> -> memref<32x384xi32, #tpu.memory_space<hbm>>
    tpu.enqueue_dma source(%dma_start3A_25 : memref<32x384xi32, #tpu.memory_space<hbm>>) target(%arg7 : memref<32x384xi32, #tpu.memory_space<vmem>>) target_semaphore(%arg15 : memref<!tpu.dma_semaphore, #tpu.memory_space<semaphore_mem>>)
    %add3A_26 = arith.constant 96 : i32
    %add3A_27 = arith.addi %mul3A_2, %add3A_26 : i32
    "tpu.region"() ({
      %run_scoped3A = tpu.sem_alloc : memref<!tpu.dma_semaphore, #tpu.memory_space<semaphore_mem>>
      %dma_start3A_135 = tpu.memref_slice %arg3[%add3A_27] : memref<8192xi32, #tpu.memory_space<hbm>> -> memref<32xi32, #tpu.memory_space<hbm>>
      %dma_start3A_136 = tpu.memref_slice %arg3[%add3A_27] : memref<8192xi32, #tpu.memory_space<hbm>> -> memref<32xi32, #tpu.memory_space<hbm>>
      tpu.enqueue_dma source(%dma_start3A_136 : memref<32xi32, #tpu.memory_space<hbm>>) target(%arg12 : memref<32xi32, #tpu.memory_space<vmem>>) target_semaphore(%run_scoped3A : memref<!tpu.dma_semaphore, #tpu.memory_space<semaphore_mem>>)
      %dma_wait3A_137 = tpu.memref_slice %arg3[%add3A_27] : memref<8192xi32, #tpu.memory_space<hbm>> -> memref<32xi32, #tpu.memory_space<hbm>>
      %dma_wait3A_138 = tpu.memref_slice %arg3[%add3A_27] : memref<8192xi32, #tpu.memory_space<hbm>> -> memref<32xi32, #tpu.memory_space<hbm>>
      tpu.wait_dma2 semaphore(%run_scoped3A : memref<!tpu.dma_semaphore, #tpu.memory_space<semaphore_mem>>) src(%dma_wait3A_138 : memref<32xi32, #tpu.memory_space<hbm>>) dst(%arg12 : memref<32xi32, #tpu.memory_space<vmem>>)
      tpu.yield
    }) : () -> ()
    %dma_start3A_28 = arith.constant 0 : i32
    %dma_start3A_29 = tpu.memref_slice %arg2[%add3A_27, %dma_start3A_28] : memref<8192x384xi32, #tpu.memory_space<hbm>> -> memref<32x384xi32, #tpu.memory_space<hbm>>
    %dma_start3A_30 = arith.constant 0 : i32
    %dma_start3A_31 = tpu.memref_slice %arg2[%add3A_27, %dma_start3A_30] : memref<8192x384xi32, #tpu.memory_space<hbm>> -> memref<32x384xi32, #tpu.memory_space<hbm>>
    tpu.enqueue_dma source(%dma_start3A_31 : memref<32x384xi32, #tpu.memory_space<hbm>>) target(%arg8 : memref<32x384xi32, #tpu.memory_space<vmem>>) target_semaphore(%arg16 : memref<!tpu.dma_semaphore, #tpu.memory_space<semaphore_mem>>)
    %dma_wait3A = arith.constant 0 : i32
    %dma_wait3A_32 = tpu.memref_slice %arg2[%add3A_6, %dma_wait3A] : memref<8192x384xi32, #tpu.memory_space<hbm>> -> memref<32x384xi32, #tpu.memory_space<hbm>>
    %dma_wait3A_33 = arith.constant 0 : i32
    %dma_wait3A_34 = tpu.memref_slice %arg2[%add3A_6, %dma_wait3A_33] : memref<8192x384xi32, #tpu.memory_space<hbm>> -> memref<32x384xi32, #tpu.memory_space<hbm>>
    tpu.wait_dma2 semaphore(%arg13 : memref<!tpu.dma_semaphore, #tpu.memory_space<semaphore_mem>>) src(%dma_wait3A_34 : memref<32x384xi32, #tpu.memory_space<hbm>>) dst(%arg5 : memref<32x384xi32, #tpu.memory_space<vmem>>)
    %dma_start3A_35 = arith.constant 0 : i32
    %dma_start3A_36 = arith.constant 0 : i32
    %dma_start3A_37 = tpu.memref_slice %arg4[%dma_start3A_35, %dma_start3A_36] : memref<13520x384xi32, #tpu.memory_space<hbm>> -> memref<13520x384xi32, #tpu.memory_space<hbm>>
    tpu.enqueue_indirect_dma source(%arg5 : memref<32x384xi32, #tpu.memory_space<vmem>>) target(%dma_start3A_37 : memref<13520x384xi32, #tpu.memory_space<hbm>>) offsets(%arg9 : memref<32xi32, #tpu.memory_space<vmem>>) semaphore(%arg17 : memref<!tpu.dma_semaphore, #tpu.memory_space<semaphore_mem>>)
    %dma_wait3A_38 = arith.constant 0 : i32
    %dma_wait3A_39 = arith.constant 0 : i32
    %dma_wait3A_40 = tpu.memref_slice %arg4[%dma_wait3A_38, %dma_wait3A_39] : memref<13520x384xi32, #tpu.memory_space<hbm>> -> memref<13520x384xi32, #tpu.memory_space<hbm>>
    tpu.wait_indirect_dma semaphore(%arg17 : memref<!tpu.dma_semaphore, #tpu.memory_space<semaphore_mem>>) src(%arg5 : memref<32x384xi32, #tpu.memory_space<vmem>>) dst(%dma_wait3A_40 : memref<13520x384xi32, #tpu.memory_space<hbm>>)
    %add3A_41 = arith.constant 128 : i32
    %add3A_42 = arith.addi %mul3A_2, %add3A_41 : i32
    "tpu.region"() ({
      %run_scoped3A = tpu.sem_alloc : memref<!tpu.dma_semaphore, #tpu.memory_space<semaphore_mem>>
      %dma_start3A_135 = tpu.memref_slice %arg3[%add3A_42] : memref<8192xi32, #tpu.memory_space<hbm>> -> memref<32xi32, #tpu.memory_space<hbm>>
      %dma_start3A_136 = tpu.memref_slice %arg3[%add3A_42] : memref<8192xi32, #tpu.memory_space<hbm>> -> memref<32xi32, #tpu.memory_space<hbm>>
      tpu.enqueue_dma source(%dma_start3A_136 : memref<32xi32, #tpu.memory_space<hbm>>) target(%arg9 : memref<32xi32, #tpu.memory_space<vmem>>) target_semaphore(%run_scoped3A : memref<!tpu.dma_semaphore, #tpu.memory_space<semaphore_mem>>)
      %dma_wait3A_137 = tpu.memref_slice %arg3[%add3A_42] : memref<8192xi32, #tpu.memory_space<hbm>> -> memref<32xi32, #tpu.memory_space<hbm>>
      %dma_wait3A_138 = tpu.memref_slice %arg3[%add3A_42] : memref<8192xi32, #tpu.memory_space<hbm>> -> memref<32xi32, #tpu.memory_space<hbm>>
      tpu.wait_dma2 semaphore(%run_scoped3A : memref<!tpu.dma_semaphore, #tpu.memory_space<semaphore_mem>>) src(%dma_wait3A_138 : memref<32xi32, #tpu.memory_space<hbm>>) dst(%arg9 : memref<32xi32, #tpu.memory_space<vmem>>)
      tpu.yield
    }) : () -> ()
    %dma_start3A_43 = arith.constant 0 : i32
    %dma_start3A_44 = tpu.memref_slice %arg2[%add3A_42, %dma_start3A_43] : memref<8192x384xi32, #tpu.memory_space<hbm>> -> memref<32x384xi32, #tpu.memory_space<hbm>>
    %dma_start3A_45 = arith.constant 0 : i32
    %dma_start3A_46 = tpu.memref_slice %arg2[%add3A_42, %dma_start3A_45] : memref<8192x384xi32, #tpu.memory_space<hbm>> -> memref<32x384xi32, #tpu.memory_space<hbm>>
    tpu.enqueue_dma source(%dma_start3A_46 : memref<32x384xi32, #tpu.memory_space<hbm>>) target(%arg5 : memref<32x384xi32, #tpu.memory_space<vmem>>) target_semaphore(%arg13 : memref<!tpu.dma_semaphore, #tpu.memory_space<semaphore_mem>>)
    %dma_wait3A_47 = arith.constant 0 : i32
    %dma_wait3A_48 = tpu.memref_slice %arg2[%add3A_13, %dma_wait3A_47] : memref<8192x384xi32, #tpu.memory_space<hbm>> -> memref<32x384xi32, #tpu.memory_space<hbm>>
    %dma_wait3A_49 = arith.constant 0 : i32
    %dma_wait3A_50 = tpu.memref_slice %arg2[%add3A_13, %dma_wait3A_49] : memref<8192x384xi32, #tpu.memory_space<hbm>> -> memref<32x384xi32, #tpu.memory_space<hbm>>
    tpu.wait_dma2 semaphore(%arg14 : memref<!tpu.dma_semaphore, #tpu.memory_space<semaphore_mem>>) src(%dma_wait3A_50 : memref<32x384xi32, #tpu.memory_space<hbm>>) dst(%arg6 : memref<32x384xi32, #tpu.memory_space<vmem>>)
    %dma_start3A_51 = arith.constant 0 : i32
    %dma_start3A_52 = arith.constant 0 : i32
    %dma_start3A_53 = tpu.memref_slice %arg4[%dma_start3A_51, %dma_start3A_52] : memref<13520x384xi32, #tpu.memory_space<hbm>> -> memref<13520x384xi32, #tpu.memory_space<hbm>>
    tpu.enqueue_indirect_dma source(%arg6 : memref<32x384xi32, #tpu.memory_space<vmem>>) target(%dma_start3A_53 : memref<13520x384xi32, #tpu.memory_space<hbm>>) offsets(%arg10 : memref<32xi32, #tpu.memory_space<vmem>>) semaphore(%arg18 : memref<!tpu.dma_semaphore, #tpu.memory_space<semaphore_mem>>)
    %dma_wait3A_54 = arith.constant 0 : i32
    %dma_wait3A_55 = arith.constant 0 : i32
    %dma_wait3A_56 = tpu.memref_slice %arg4[%dma_wait3A_54, %dma_wait3A_55] : memref<13520x384xi32, #tpu.memory_space<hbm>> -> memref<13520x384xi32, #tpu.memory_space<hbm>>
    tpu.wait_indirect_dma semaphore(%arg18 : memref<!tpu.dma_semaphore, #tpu.memory_space<semaphore_mem>>) src(%arg6 : memref<32x384xi32, #tpu.memory_space<vmem>>) dst(%dma_wait3A_56 : memref<13520x384xi32, #tpu.memory_space<hbm>>)
    %add3A_57 = arith.constant 160 : i32
    %add3A_58 = arith.addi %mul3A_2, %add3A_57 : i32
    "tpu.region"() ({
      %run_scoped3A = tpu.sem_alloc : memref<!tpu.dma_semaphore, #tpu.memory_space<semaphore_mem>>
      %dma_start3A_135 = tpu.memref_slice %arg3[%add3A_58] : memref<8192xi32, #tpu.memory_space<hbm>> -> memref<32xi32, #tpu.memory_space<hbm>>
      %dma_start3A_136 = tpu.memref_slice %arg3[%add3A_58] : memref<8192xi32, #tpu.memory_space<hbm>> -> memref<32xi32, #tpu.memory_space<hbm>>
      tpu.enqueue_dma source(%dma_start3A_136 : memref<32xi32, #tpu.memory_space<hbm>>) target(%arg10 : memref<32xi32, #tpu.memory_space<vmem>>) target_semaphore(%run_scoped3A : memref<!tpu.dma_semaphore, #tpu.memory_space<semaphore_mem>>)
      %dma_wait3A_137 = tpu.memref_slice %arg3[%add3A_58] : memref<8192xi32, #tpu.memory_space<hbm>> -> memref<32xi32, #tpu.memory_space<hbm>>
      %dma_wait3A_138 = tpu.memref_slice %arg3[%add3A_58] : memref<8192xi32, #tpu.memory_space<hbm>> -> memref<32xi32, #tpu.memory_space<hbm>>
      tpu.wait_dma2 semaphore(%run_scoped3A : memref<!tpu.dma_semaphore, #tpu.memory_space<semaphore_mem>>) src(%dma_wait3A_138 : memref<32xi32, #tpu.memory_space<hbm>>) dst(%arg10 : memref<32xi32, #tpu.memory_space<vmem>>)
      tpu.yield
    }) : () -> ()
    %dma_start3A_59 = arith.constant 0 : i32
    %dma_start3A_60 = tpu.memref_slice %arg2[%add3A_58, %dma_start3A_59] : memref<8192x384xi32, #tpu.memory_space<hbm>> -> memref<32x384xi32, #tpu.memory_space<hbm>>
    %dma_start3A_61 = arith.constant 0 : i32
    %dma_start3A_62 = tpu.memref_slice %arg2[%add3A_58, %dma_start3A_61] : memref<8192x384xi32, #tpu.memory_space<hbm>> -> memref<32x384xi32, #tpu.memory_space<hbm>>
    tpu.enqueue_dma source(%dma_start3A_62 : memref<32x384xi32, #tpu.memory_space<hbm>>) target(%arg6 : memref<32x384xi32, #tpu.memory_space<vmem>>) target_semaphore(%arg14 : memref<!tpu.dma_semaphore, #tpu.memory_space<semaphore_mem>>)
    %dma_wait3A_63 = arith.constant 0 : i32
    %dma_wait3A_64 = tpu.memref_slice %arg2[%add3A_21, %dma_wait3A_63] : memref<8192x384xi32, #tpu.memory_space<hbm>> -> memref<32x384xi32, #tpu.memory_space<hbm>>
    %dma_wait3A_65 = arith.constant 0 : i32
    %dma_wait3A_66 = tpu.memref_slice %arg2[%add3A_21, %dma_wait3A_65] : memref<8192x384xi32, #tpu.memory_space<hbm>> -> memref<32x384xi32, #tpu.memory_space<hbm>>
    tpu.wait_dma2 semaphore(%arg15 : memref<!tpu.dma_semaphore, #tpu.memory_space<semaphore_mem>>) src(%dma_wait3A_66 : memref<32x384xi32, #tpu.memory_space<hbm>>) dst(%arg7 : memref<32x384xi32, #tpu.memory_space<vmem>>)
    %dma_start3A_67 = arith.constant 0 : i32
    %dma_start3A_68 = arith.constant 0 : i32
    %dma_start3A_69 = tpu.memref_slice %arg4[%dma_start3A_67, %dma_start3A_68] : memref<13520x384xi32, #tpu.memory_space<hbm>> -> memref<13520x384xi32, #tpu.memory_space<hbm>>
    tpu.enqueue_indirect_dma source(%arg7 : memref<32x384xi32, #tpu.memory_space<vmem>>) target(%dma_start3A_69 : memref<13520x384xi32, #tpu.memory_space<hbm>>) offsets(%arg11 : memref<32xi32, #tpu.memory_space<vmem>>) semaphore(%arg19 : memref<!tpu.dma_semaphore, #tpu.memory_space<semaphore_mem>>)
    %dma_wait3A_70 = arith.constant 0 : i32
    %dma_wait3A_71 = arith.constant 0 : i32
    %dma_wait3A_72 = tpu.memref_slice %arg4[%dma_wait3A_70, %dma_wait3A_71] : memref<13520x384xi32, #tpu.memory_space<hbm>> -> memref<13520x384xi32, #tpu.memory_space<hbm>>
    tpu.wait_indirect_dma semaphore(%arg19 : memref<!tpu.dma_semaphore, #tpu.memory_space<semaphore_mem>>) src(%arg7 : memref<32x384xi32, #tpu.memory_space<vmem>>) dst(%dma_wait3A_72 : memref<13520x384xi32, #tpu.memory_space<hbm>>)
    %add3A_73 = arith.constant 192 : i32
    %add3A_74 = arith.addi %mul3A_2, %add3A_73 : i32
    "tpu.region"() ({
      %run_scoped3A = tpu.sem_alloc : memref<!tpu.dma_semaphore, #tpu.memory_space<semaphore_mem>>
      %dma_start3A_135 = tpu.memref_slice %arg3[%add3A_74] : memref<8192xi32, #tpu.memory_space<hbm>> -> memref<32xi32, #tpu.memory_space<hbm>>
      %dma_start3A_136 = tpu.memref_slice %arg3[%add3A_74] : memref<8192xi32, #tpu.memory_space<hbm>> -> memref<32xi32, #tpu.memory_space<hbm>>
      tpu.enqueue_dma source(%dma_start3A_136 : memref<32xi32, #tpu.memory_space<hbm>>) target(%arg11 : memref<32xi32, #tpu.memory_space<vmem>>) target_semaphore(%run_scoped3A : memref<!tpu.dma_semaphore, #tpu.memory_space<semaphore_mem>>)
      %dma_wait3A_137 = tpu.memref_slice %arg3[%add3A_74] : memref<8192xi32, #tpu.memory_space<hbm>> -> memref<32xi32, #tpu.memory_space<hbm>>
      %dma_wait3A_138 = tpu.memref_slice %arg3[%add3A_74] : memref<8192xi32, #tpu.memory_space<hbm>> -> memref<32xi32, #tpu.memory_space<hbm>>
      tpu.wait_dma2 semaphore(%run_scoped3A : memref<!tpu.dma_semaphore, #tpu.memory_space<semaphore_mem>>) src(%dma_wait3A_138 : memref<32xi32, #tpu.memory_space<hbm>>) dst(%arg11 : memref<32xi32, #tpu.memory_space<vmem>>)
      tpu.yield
    }) : () -> ()
    %dma_start3A_75 = arith.constant 0 : i32
    %dma_start3A_76 = tpu.memref_slice %arg2[%add3A_74, %dma_start3A_75] : memref<8192x384xi32, #tpu.memory_space<hbm>> -> memref<32x384xi32, #tpu.memory_space<hbm>>
    %dma_start3A_77 = arith.constant 0 : i32
    %dma_start3A_78 = tpu.memref_slice %arg2[%add3A_74, %dma_start3A_77] : memref<8192x384xi32, #tpu.memory_space<hbm>> -> memref<32x384xi32, #tpu.memory_space<hbm>>
    tpu.enqueue_dma source(%dma_start3A_78 : memref<32x384xi32, #tpu.memory_space<hbm>>) target(%arg7 : memref<32x384xi32, #tpu.memory_space<vmem>>) target_semaphore(%arg15 : memref<!tpu.dma_semaphore, #tpu.memory_space<semaphore_mem>>)
    %dma_wait3A_79 = arith.constant 0 : i32
    %dma_wait3A_80 = tpu.memref_slice %arg2[%add3A_27, %dma_wait3A_79] : memref<8192x384xi32, #tpu.memory_space<hbm>> -> memref<32x384xi32, #tpu.memory_space<hbm>>
    %dma_wait3A_81 = arith.constant 0 : i32
    %dma_wait3A_82 = tpu.memref_slice %arg2[%add3A_27, %dma_wait3A_81] : memref<8192x384xi32, #tpu.memory_space<hbm>> -> memref<32x384xi32, #tpu.memory_space<hbm>>
    tpu.wait_dma2 semaphore(%arg16 : memref<!tpu.dma_semaphore, #tpu.memory_space<semaphore_mem>>) src(%dma_wait3A_82 : memref<32x384xi32, #tpu.memory_space<hbm>>) dst(%arg8 : memref<32x384xi32, #tpu.memory_space<vmem>>)
    %dma_start3A_83 = arith.constant 0 : i32
    %dma_start3A_84 = arith.constant 0 : i32
    %dma_start3A_85 = tpu.memref_slice %arg4[%dma_start3A_83, %dma_start3A_84] : memref<13520x384xi32, #tpu.memory_space<hbm>> -> memref<13520x384xi32, #tpu.memory_space<hbm>>
    tpu.enqueue_indirect_dma source(%arg8 : memref<32x384xi32, #tpu.memory_space<vmem>>) target(%dma_start3A_85 : memref<13520x384xi32, #tpu.memory_space<hbm>>) offsets(%arg12 : memref<32xi32, #tpu.memory_space<vmem>>) semaphore(%arg20 : memref<!tpu.dma_semaphore, #tpu.memory_space<semaphore_mem>>)
    %dma_wait3A_86 = arith.constant 0 : i32
    %dma_wait3A_87 = arith.constant 0 : i32
    %dma_wait3A_88 = tpu.memref_slice %arg4[%dma_wait3A_86, %dma_wait3A_87] : memref<13520x384xi32, #tpu.memory_space<hbm>> -> memref<13520x384xi32, #tpu.memory_space<hbm>>
    tpu.wait_indirect_dma semaphore(%arg20 : memref<!tpu.dma_semaphore, #tpu.memory_space<semaphore_mem>>) src(%arg8 : memref<32x384xi32, #tpu.memory_space<vmem>>) dst(%dma_wait3A_88 : memref<13520x384xi32, #tpu.memory_space<hbm>>)
    %add3A_89 = arith.constant 224 : i32
    %add3A_90 = arith.addi %mul3A_2, %add3A_89 : i32
    "tpu.region"() ({
      %run_scoped3A = tpu.sem_alloc : memref<!tpu.dma_semaphore, #tpu.memory_space<semaphore_mem>>
      %dma_start3A_135 = tpu.memref_slice %arg3[%add3A_90] : memref<8192xi32, #tpu.memory_space<hbm>> -> memref<32xi32, #tpu.memory_space<hbm>>
      %dma_start3A_136 = tpu.memref_slice %arg3[%add3A_90] : memref<8192xi32, #tpu.memory_space<hbm>> -> memref<32xi32, #tpu.memory_space<hbm>>
      tpu.enqueue_dma source(%dma_start3A_136 : memref<32xi32, #tpu.memory_space<hbm>>) target(%arg12 : memref<32xi32, #tpu.memory_space<vmem>>) target_semaphore(%run_scoped3A : memref<!tpu.dma_semaphore, #tpu.memory_space<semaphore_mem>>)
      %dma_wait3A_137 = tpu.memref_slice %arg3[%add3A_90] : memref<8192xi32, #tpu.memory_space<hbm>> -> memref<32xi32, #tpu.memory_space<hbm>>
      %dma_wait3A_138 = tpu.memref_slice %arg3[%add3A_90] : memref<8192xi32, #tpu.memory_space<hbm>> -> memref<32xi32, #tpu.memory_space<hbm>>
      tpu.wait_dma2 semaphore(%run_scoped3A : memref<!tpu.dma_semaphore, #tpu.memory_space<semaphore_mem>>) src(%dma_wait3A_138 : memref<32xi32, #tpu.memory_space<hbm>>) dst(%arg12 : memref<32xi32, #tpu.memory_space<vmem>>)
      tpu.yield
    }) : () -> ()
    %dma_start3A_91 = arith.constant 0 : i32
    %dma_start3A_92 = tpu.memref_slice %arg2[%add3A_90, %dma_start3A_91] : memref<8192x384xi32, #tpu.memory_space<hbm>> -> memref<32x384xi32, #tpu.memory_space<hbm>>
    %dma_start3A_93 = arith.constant 0 : i32
    %dma_start3A_94 = tpu.memref_slice %arg2[%add3A_90, %dma_start3A_93] : memref<8192x384xi32, #tpu.memory_space<hbm>> -> memref<32x384xi32, #tpu.memory_space<hbm>>
    tpu.enqueue_dma source(%dma_start3A_94 : memref<32x384xi32, #tpu.memory_space<hbm>>) target(%arg8 : memref<32x384xi32, #tpu.memory_space<vmem>>) target_semaphore(%arg16 : memref<!tpu.dma_semaphore, #tpu.memory_space<semaphore_mem>>)
    %dma_wait3A_95 = arith.constant 0 : i32
    %dma_wait3A_96 = tpu.memref_slice %arg2[%add3A_42, %dma_wait3A_95] : memref<8192x384xi32, #tpu.memory_space<hbm>> -> memref<32x384xi32, #tpu.memory_space<hbm>>
    %dma_wait3A_97 = arith.constant 0 : i32
    %dma_wait3A_98 = tpu.memref_slice %arg2[%add3A_42, %dma_wait3A_97] : memref<8192x384xi32, #tpu.memory_space<hbm>> -> memref<32x384xi32, #tpu.memory_space<hbm>>
    tpu.wait_dma2 semaphore(%arg13 : memref<!tpu.dma_semaphore, #tpu.memory_space<semaphore_mem>>) src(%dma_wait3A_98 : memref<32x384xi32, #tpu.memory_space<hbm>>) dst(%arg5 : memref<32x384xi32, #tpu.memory_space<vmem>>)
    %dma_start3A_99 = arith.constant 0 : i32
    %dma_start3A_100 = arith.constant 0 : i32
    %dma_start3A_101 = tpu.memref_slice %arg4[%dma_start3A_99, %dma_start3A_100] : memref<13520x384xi32, #tpu.memory_space<hbm>> -> memref<13520x384xi32, #tpu.memory_space<hbm>>
    tpu.enqueue_indirect_dma source(%arg5 : memref<32x384xi32, #tpu.memory_space<vmem>>) target(%dma_start3A_101 : memref<13520x384xi32, #tpu.memory_space<hbm>>) offsets(%arg9 : memref<32xi32, #tpu.memory_space<vmem>>) semaphore(%arg17 : memref<!tpu.dma_semaphore, #tpu.memory_space<semaphore_mem>>)
    %dma_wait3A_102 = arith.constant 0 : i32
    %dma_wait3A_103 = tpu.memref_slice %arg2[%add3A_58, %dma_wait3A_102] : memref<8192x384xi32, #tpu.memory_space<hbm>> -> memref<32x384xi32, #tpu.memory_space<hbm>>
    %dma_wait3A_104 = arith.constant 0 : i32
    %dma_wait3A_105 = tpu.memref_slice %arg2[%add3A_58, %dma_wait3A_104] : memref<8192x384xi32, #tpu.memory_space<hbm>> -> memref<32x384xi32, #tpu.memory_space<hbm>>
    tpu.wait_dma2 semaphore(%arg14 : memref<!tpu.dma_semaphore, #tpu.memory_space<semaphore_mem>>) src(%dma_wait3A_105 : memref<32x384xi32, #tpu.memory_space<hbm>>) dst(%arg6 : memref<32x384xi32, #tpu.memory_space<vmem>>)
    %dma_start3A_106 = arith.constant 0 : i32
    %dma_start3A_107 = arith.constant 0 : i32
    %dma_start3A_108 = tpu.memref_slice %arg4[%dma_start3A_106, %dma_start3A_107] : memref<13520x384xi32, #tpu.memory_space<hbm>> -> memref<13520x384xi32, #tpu.memory_space<hbm>>
    tpu.enqueue_indirect_dma source(%arg6 : memref<32x384xi32, #tpu.memory_space<vmem>>) target(%dma_start3A_108 : memref<13520x384xi32, #tpu.memory_space<hbm>>) offsets(%arg10 : memref<32xi32, #tpu.memory_space<vmem>>) semaphore(%arg18 : memref<!tpu.dma_semaphore, #tpu.memory_space<semaphore_mem>>)
    %dma_wait3A_109 = arith.constant 0 : i32
    %dma_wait3A_110 = tpu.memref_slice %arg2[%add3A_74, %dma_wait3A_109] : memref<8192x384xi32, #tpu.memory_space<hbm>> -> memref<32x384xi32, #tpu.memory_space<hbm>>
    %dma_wait3A_111 = arith.constant 0 : i32
    %dma_wait3A_112 = tpu.memref_slice %arg2[%add3A_74, %dma_wait3A_111] : memref<8192x384xi32, #tpu.memory_space<hbm>> -> memref<32x384xi32, #tpu.memory_space<hbm>>
    tpu.wait_dma2 semaphore(%arg15 : memref<!tpu.dma_semaphore, #tpu.memory_space<semaphore_mem>>) src(%dma_wait3A_112 : memref<32x384xi32, #tpu.memory_space<hbm>>) dst(%arg7 : memref<32x384xi32, #tpu.memory_space<vmem>>)
    %dma_start3A_113 = arith.constant 0 : i32
    %dma_start3A_114 = arith.constant 0 : i32
    %dma_start3A_115 = tpu.memref_slice %arg4[%dma_start3A_113, %dma_start3A_114] : memref<13520x384xi32, #tpu.memory_space<hbm>> -> memref<13520x384xi32, #tpu.memory_space<hbm>>
    tpu.enqueue_indirect_dma source(%arg7 : memref<32x384xi32, #tpu.memory_space<vmem>>) target(%dma_start3A_115 : memref<13520x384xi32, #tpu.memory_space<hbm>>) offsets(%arg11 : memref<32xi32, #tpu.memory_space<vmem>>) semaphore(%arg19 : memref<!tpu.dma_semaphore, #tpu.memory_space<semaphore_mem>>)
    %dma_wait3A_116 = arith.constant 0 : i32
    %dma_wait3A_117 = tpu.memref_slice %arg2[%add3A_90, %dma_wait3A_116] : memref<8192x384xi32, #tpu.memory_space<hbm>> -> memref<32x384xi32, #tpu.memory_space<hbm>>
    %dma_wait3A_118 = arith.constant 0 : i32
    %dma_wait3A_119 = tpu.memref_slice %arg2[%add3A_90, %dma_wait3A_118] : memref<8192x384xi32, #tpu.memory_space<hbm>> -> memref<32x384xi32, #tpu.memory_space<hbm>>
    tpu.wait_dma2 semaphore(%arg16 : memref<!tpu.dma_semaphore, #tpu.memory_space<semaphore_mem>>) src(%dma_wait3A_119 : memref<32x384xi32, #tpu.memory_space<hbm>>) dst(%arg8 : memref<32x384xi32, #tpu.memory_space<vmem>>)
    %dma_start3A_120 = arith.constant 0 : i32
    %dma_start3A_121 = arith.constant 0 : i32
    %dma_start3A_122 = tpu.memref_slice %arg4[%dma_start3A_120, %dma_start3A_121] : memref<13520x384xi32, #tpu.memory_space<hbm>> -> memref<13520x384xi32, #tpu.memory_space<hbm>>
    tpu.enqueue_indirect_dma source(%arg8 : memref<32x384xi32, #tpu.memory_space<vmem>>) target(%dma_start3A_122 : memref<13520x384xi32, #tpu.memory_space<hbm>>) offsets(%arg12 : memref<32xi32, #tpu.memory_space<vmem>>) semaphore(%arg20 : memref<!tpu.dma_semaphore, #tpu.memory_space<semaphore_mem>>)
    %dma_wait3A_123 = arith.constant 0 : i32
    %dma_wait3A_124 = arith.constant 0 : i32
    %dma_wait3A_125 = tpu.memref_slice %arg4[%dma_wait3A_123, %dma_wait3A_124] : memref<13520x384xi32, #tpu.memory_space<hbm>> -> memref<13520x384xi32, #tpu.memory_space<hbm>>
    tpu.wait_indirect_dma semaphore(%arg17 : memref<!tpu.dma_semaphore, #tpu.memory_space<semaphore_mem>>) src(%arg5 : memref<32x384xi32, #tpu.memory_space<vmem>>) dst(%dma_wait3A_125 : memref<13520x384xi32, #tpu.memory_space<hbm>>)
    %dma_wait3A_126 = arith.constant 0 : i32
    %dma_wait3A_127 = arith.constant 0 : i32
    %dma_wait3A_128 = tpu.memref_slice %arg4[%dma_wait3A_126, %dma_wait3A_127] : memref<13520x384xi32, #tpu.memory_space<hbm>> -> memref<13520x384xi32, #tpu.memory_space<hbm>>
    tpu.wait_indirect_dma semaphore(%arg18 : memref<!tpu.dma_semaphore, #tpu.memory_space<semaphore_mem>>) src(%arg6 : memref<32x384xi32, #tpu.memory_space<vmem>>) dst(%dma_wait3A_128 : memref<13520x384xi32, #tpu.memory_space<hbm>>)
    %dma_wait3A_129 = arith.constant 0 : i32
    %dma_wait3A_130 = arith.constant 0 : i32
    %dma_wait3A_131 = tpu.memref_slice %arg4[%dma_wait3A_129, %dma_wait3A_130] : memref<13520x384xi32, #tpu.memory_space<hbm>> -> memref<13520x384xi32, #tpu.memory_space<hbm>>
    tpu.wait_indirect_dma semaphore(%arg19 : memref<!tpu.dma_semaphore, #tpu.memory_space<semaphore_mem>>) src(%arg7 : memref<32x384xi32, #tpu.memory_space<vmem>>) dst(%dma_wait3A_131 : memref<13520x384xi32, #tpu.memory_space<hbm>>)
    %dma_wait3A_132 = arith.constant 0 : i32
    %dma_wait3A_133 = arith.constant 0 : i32
    %dma_wait3A_134 = tpu.memref_slice %arg4[%dma_wait3A_132, %dma_wait3A_133] : memref<13520x384xi32, #tpu.memory_space<hbm>> -> memref<13520x384xi32, #tpu.memory_space<hbm>>
    tpu.wait_indirect_dma semaphore(%arg20 : memref<!tpu.dma_semaphore, #tpu.memory_space<semaphore_mem>>) src(%arg8 : memref<32x384xi32, #tpu.memory_space<vmem>>) dst(%dma_wait3A_134 : memref<13520x384xi32, #tpu.memory_space<hbm>>)
    return
  }
}

#map = affine_map<(d0, d1) -> (0, 0)>
#map1 = affine_map<(d0, d1) -> (0)>
module attributes {stable_mosaic.version = 14 : i64} {
  func.func @combine(%arg0: i32, %arg1: i32, %arg2: memref<13520x384xi32, #tpu.memory_space<hbm>>, %arg3: memref<8192xi32, #tpu.memory_space<hbm>>, %arg4: memref<8192x384xi32, #tpu.memory_space<hbm>>, %arg5: memref<32x384xi32, #tpu.memory_space<vmem>>, %arg6: memref<32x384xi32, #tpu.memory_space<vmem>>, %arg7: memref<32x384xi32, #tpu.memory_space<vmem>>, %arg8: memref<32x384xi32, #tpu.memory_space<vmem>>, %arg9: memref<32xi32, #tpu.memory_space<vmem>>, %arg10: memref<32xi32, #tpu.memory_space<vmem>>, %arg11: memref<32xi32, #tpu.memory_space<vmem>>, %arg12: memref<32xi32, #tpu.memory_space<vmem>>, %arg13: memref<!tpu.dma_semaphore, #tpu.memory_space<semaphore_mem>>, %arg14: memref<!tpu.dma_semaphore, #tpu.memory_space<semaphore_mem>>, %arg15: memref<!tpu.dma_semaphore, #tpu.memory_space<semaphore_mem>>, %arg16: memref<!tpu.dma_semaphore, #tpu.memory_space<semaphore_mem>>, %arg17: memref<!tpu.dma_semaphore, #tpu.memory_space<semaphore_mem>>, %arg18: memref<!tpu.dma_semaphore, #tpu.memory_space<semaphore_mem>>, %arg19: memref<!tpu.dma_semaphore, #tpu.memory_space<semaphore_mem>>, %arg20: memref<!tpu.dma_semaphore, #tpu.memory_space<semaphore_mem>>) attributes {dimension_semantics = [#tpu.dimension_semantics<core_parallel>, #tpu.dimension_semantics<subcore_parallel>], iteration_bounds = array<i64: 2, 16>, scalar_prefetch = 0 : i64, scratch_operands = 16 : i64, tpu.core_type = #tpu.core_type<sc_vector_subcore>, window_params = [{transform_indices = #map}, {transform_indices = #map1}, {transform_indices = #map}]} {
    %mul3A = arith.constant 2 : i32
    %mul3A_0 = arith.muli %arg1, %mul3A : i32
    %add3A = arith.addi %mul3A_0, %arg0 : i32
    %mul3A_1 = arith.constant 256 : i32
    %mul3A_2 = arith.muli %add3A, %mul3A_1 : i32
    %add3A_3 = arith.constant 0 : i32
    %add3A_4 = arith.addi %mul3A_2, %add3A_3 : i32
    "tpu.region"() ({
      %run_scoped3A = tpu.sem_alloc : memref<!tpu.dma_semaphore, #tpu.memory_space<semaphore_mem>>
      %dma_start3A_145 = tpu.memref_slice %arg3[%add3A_4] : memref<8192xi32, #tpu.memory_space<hbm>> -> memref<32xi32, #tpu.memory_space<hbm>>
      %dma_start3A_146 = tpu.memref_slice %arg3[%add3A_4] : memref<8192xi32, #tpu.memory_space<hbm>> -> memref<32xi32, #tpu.memory_space<hbm>>
      tpu.enqueue_dma source(%dma_start3A_146 : memref<32xi32, #tpu.memory_space<hbm>>) target(%arg9 : memref<32xi32, #tpu.memory_space<vmem>>) target_semaphore(%run_scoped3A : memref<!tpu.dma_semaphore, #tpu.memory_space<semaphore_mem>>)
      %dma_wait3A_147 = tpu.memref_slice %arg3[%add3A_4] : memref<8192xi32, #tpu.memory_space<hbm>> -> memref<32xi32, #tpu.memory_space<hbm>>
      %dma_wait3A_148 = tpu.memref_slice %arg3[%add3A_4] : memref<8192xi32, #tpu.memory_space<hbm>> -> memref<32xi32, #tpu.memory_space<hbm>>
      tpu.wait_dma2 semaphore(%run_scoped3A : memref<!tpu.dma_semaphore, #tpu.memory_space<semaphore_mem>>) src(%dma_wait3A_148 : memref<32xi32, #tpu.memory_space<hbm>>) dst(%arg9 : memref<32xi32, #tpu.memory_space<vmem>>)
      tpu.yield
    }) : () -> ()
    %dma_start3A = arith.constant 0 : i32
    %dma_start3A_5 = arith.constant 0 : i32
    %dma_start3A_6 = tpu.memref_slice %arg2[%dma_start3A, %dma_start3A_5] : memref<13520x384xi32, #tpu.memory_space<hbm>> -> memref<13520x384xi32, #tpu.memory_space<hbm>>
    tpu.enqueue_indirect_dma source(%dma_start3A_6 : memref<13520x384xi32, #tpu.memory_space<hbm>>) target(%arg5 : memref<32x384xi32, #tpu.memory_space<vmem>>) offsets(%arg9 : memref<32xi32, #tpu.memory_space<vmem>>) semaphore(%arg13 : memref<!tpu.dma_semaphore, #tpu.memory_space<semaphore_mem>>)
    %add3A_7 = arith.constant 32 : i32
    %add3A_8 = arith.addi %mul3A_2, %add3A_7 : i32
    "tpu.region"() ({
      %run_scoped3A = tpu.sem_alloc : memref<!tpu.dma_semaphore, #tpu.memory_space<semaphore_mem>>
      %dma_start3A_145 = tpu.memref_slice %arg3[%add3A_8] : memref<8192xi32, #tpu.memory_space<hbm>> -> memref<32xi32, #tpu.memory_space<hbm>>
      %dma_start3A_146 = tpu.memref_slice %arg3[%add3A_8] : memref<8192xi32, #tpu.memory_space<hbm>> -> memref<32xi32, #tpu.memory_space<hbm>>
      tpu.enqueue_dma source(%dma_start3A_146 : memref<32xi32, #tpu.memory_space<hbm>>) target(%arg10 : memref<32xi32, #tpu.memory_space<vmem>>) target_semaphore(%run_scoped3A : memref<!tpu.dma_semaphore, #tpu.memory_space<semaphore_mem>>)
      %dma_wait3A_147 = tpu.memref_slice %arg3[%add3A_8] : memref<8192xi32, #tpu.memory_space<hbm>> -> memref<32xi32, #tpu.memory_space<hbm>>
      %dma_wait3A_148 = tpu.memref_slice %arg3[%add3A_8] : memref<8192xi32, #tpu.memory_space<hbm>> -> memref<32xi32, #tpu.memory_space<hbm>>
      tpu.wait_dma2 semaphore(%run_scoped3A : memref<!tpu.dma_semaphore, #tpu.memory_space<semaphore_mem>>) src(%dma_wait3A_148 : memref<32xi32, #tpu.memory_space<hbm>>) dst(%arg10 : memref<32xi32, #tpu.memory_space<vmem>>)
      tpu.yield
    }) : () -> ()
    %dma_start3A_9 = arith.constant 0 : i32
    %dma_start3A_10 = arith.constant 0 : i32
    %dma_start3A_11 = tpu.memref_slice %arg2[%dma_start3A_9, %dma_start3A_10] : memref<13520x384xi32, #tpu.memory_space<hbm>> -> memref<13520x384xi32, #tpu.memory_space<hbm>>
    tpu.enqueue_indirect_dma source(%dma_start3A_11 : memref<13520x384xi32, #tpu.memory_space<hbm>>) target(%arg6 : memref<32x384xi32, #tpu.memory_space<vmem>>) offsets(%arg10 : memref<32xi32, #tpu.memory_space<vmem>>) semaphore(%arg14 : memref<!tpu.dma_semaphore, #tpu.memory_space<semaphore_mem>>)
    %add3A_12 = arith.constant 64 : i32
    %add3A_13 = arith.addi %mul3A_2, %add3A_12 : i32
    "tpu.region"() ({
      %run_scoped3A = tpu.sem_alloc : memref<!tpu.dma_semaphore, #tpu.memory_space<semaphore_mem>>
      %dma_start3A_145 = tpu.memref_slice %arg3[%add3A_13] : memref<8192xi32, #tpu.memory_space<hbm>> -> memref<32xi32, #tpu.memory_space<hbm>>
      %dma_start3A_146 = tpu.memref_slice %arg3[%add3A_13] : memref<8192xi32, #tpu.memory_space<hbm>> -> memref<32xi32, #tpu.memory_space<hbm>>
      tpu.enqueue_dma source(%dma_start3A_146 : memref<32xi32, #tpu.memory_space<hbm>>) target(%arg11 : memref<32xi32, #tpu.memory_space<vmem>>) target_semaphore(%run_scoped3A : memref<!tpu.dma_semaphore, #tpu.memory_space<semaphore_mem>>)
      %dma_wait3A_147 = tpu.memref_slice %arg3[%add3A_13] : memref<8192xi32, #tpu.memory_space<hbm>> -> memref<32xi32, #tpu.memory_space<hbm>>
      %dma_wait3A_148 = tpu.memref_slice %arg3[%add3A_13] : memref<8192xi32, #tpu.memory_space<hbm>> -> memref<32xi32, #tpu.memory_space<hbm>>
      tpu.wait_dma2 semaphore(%run_scoped3A : memref<!tpu.dma_semaphore, #tpu.memory_space<semaphore_mem>>) src(%dma_wait3A_148 : memref<32xi32, #tpu.memory_space<hbm>>) dst(%arg11 : memref<32xi32, #tpu.memory_space<vmem>>)
      tpu.yield
    }) : () -> ()
    %dma_start3A_14 = arith.constant 0 : i32
    %dma_start3A_15 = arith.constant 0 : i32
    %dma_start3A_16 = tpu.memref_slice %arg2[%dma_start3A_14, %dma_start3A_15] : memref<13520x384xi32, #tpu.memory_space<hbm>> -> memref<13520x384xi32, #tpu.memory_space<hbm>>
    tpu.enqueue_indirect_dma source(%dma_start3A_16 : memref<13520x384xi32, #tpu.memory_space<hbm>>) target(%arg7 : memref<32x384xi32, #tpu.memory_space<vmem>>) offsets(%arg11 : memref<32xi32, #tpu.memory_space<vmem>>) semaphore(%arg15 : memref<!tpu.dma_semaphore, #tpu.memory_space<semaphore_mem>>)
    %add3A_17 = arith.constant 96 : i32
    %add3A_18 = arith.addi %mul3A_2, %add3A_17 : i32
    "tpu.region"() ({
      %run_scoped3A = tpu.sem_alloc : memref<!tpu.dma_semaphore, #tpu.memory_space<semaphore_mem>>
      %dma_start3A_145 = tpu.memref_slice %arg3[%add3A_18] : memref<8192xi32, #tpu.memory_space<hbm>> -> memref<32xi32, #tpu.memory_space<hbm>>
      %dma_start3A_146 = tpu.memref_slice %arg3[%add3A_18] : memref<8192xi32, #tpu.memory_space<hbm>> -> memref<32xi32, #tpu.memory_space<hbm>>
      tpu.enqueue_dma source(%dma_start3A_146 : memref<32xi32, #tpu.memory_space<hbm>>) target(%arg12 : memref<32xi32, #tpu.memory_space<vmem>>) target_semaphore(%run_scoped3A : memref<!tpu.dma_semaphore, #tpu.memory_space<semaphore_mem>>)
      %dma_wait3A_147 = tpu.memref_slice %arg3[%add3A_18] : memref<8192xi32, #tpu.memory_space<hbm>> -> memref<32xi32, #tpu.memory_space<hbm>>
      %dma_wait3A_148 = tpu.memref_slice %arg3[%add3A_18] : memref<8192xi32, #tpu.memory_space<hbm>> -> memref<32xi32, #tpu.memory_space<hbm>>
      tpu.wait_dma2 semaphore(%run_scoped3A : memref<!tpu.dma_semaphore, #tpu.memory_space<semaphore_mem>>) src(%dma_wait3A_148 : memref<32xi32, #tpu.memory_space<hbm>>) dst(%arg12 : memref<32xi32, #tpu.memory_space<vmem>>)
      tpu.yield
    }) : () -> ()
    %dma_start3A_19 = arith.constant 0 : i32
    %dma_start3A_20 = arith.constant 0 : i32
    %dma_start3A_21 = tpu.memref_slice %arg2[%dma_start3A_19, %dma_start3A_20] : memref<13520x384xi32, #tpu.memory_space<hbm>> -> memref<13520x384xi32, #tpu.memory_space<hbm>>
    tpu.enqueue_indirect_dma source(%dma_start3A_21 : memref<13520x384xi32, #tpu.memory_space<hbm>>) target(%arg8 : memref<32x384xi32, #tpu.memory_space<vmem>>) offsets(%arg12 : memref<32xi32, #tpu.memory_space<vmem>>) semaphore(%arg16 : memref<!tpu.dma_semaphore, #tpu.memory_space<semaphore_mem>>)
    %dma_wait3A = arith.constant 0 : i32
    %dma_wait3A_22 = arith.constant 0 : i32
    %dma_wait3A_23 = tpu.memref_slice %arg2[%dma_wait3A, %dma_wait3A_22] : memref<13520x384xi32, #tpu.memory_space<hbm>> -> memref<13520x384xi32, #tpu.memory_space<hbm>>
    tpu.wait_indirect_dma semaphore(%arg13 : memref<!tpu.dma_semaphore, #tpu.memory_space<semaphore_mem>>) src(%dma_wait3A_23 : memref<13520x384xi32, #tpu.memory_space<hbm>>) dst(%arg5 : memref<32x384xi32, #tpu.memory_space<vmem>>)
    %add3A_24 = arith.constant 0 : i32
    %add3A_25 = arith.addi %mul3A_2, %add3A_24 : i32
    %dma_start3A_26 = arith.constant 0 : i32
    %dma_start3A_27 = tpu.memref_slice %arg4[%add3A_25, %dma_start3A_26] : memref<8192x384xi32, #tpu.memory_space<hbm>> -> memref<32x384xi32, #tpu.memory_space<hbm>>
    %dma_start3A_28 = arith.constant 0 : i32
    %dma_start3A_29 = tpu.memref_slice %arg4[%add3A_25, %dma_start3A_28] : memref<8192x384xi32, #tpu.memory_space<hbm>> -> memref<32x384xi32, #tpu.memory_space<hbm>>
    tpu.enqueue_dma source(%arg5 : memref<32x384xi32, #tpu.memory_space<vmem>>) target(%dma_start3A_29 : memref<32x384xi32, #tpu.memory_space<hbm>>) target_semaphore(%arg17 : memref<!tpu.dma_semaphore, #tpu.memory_space<semaphore_mem>>)
    %dma_wait3A_30 = arith.constant 0 : i32
    %dma_wait3A_31 = tpu.memref_slice %arg4[%add3A_25, %dma_wait3A_30] : memref<8192x384xi32, #tpu.memory_space<hbm>> -> memref<32x384xi32, #tpu.memory_space<hbm>>
    %dma_wait3A_32 = arith.constant 0 : i32
    %dma_wait3A_33 = tpu.memref_slice %arg4[%add3A_25, %dma_wait3A_32] : memref<8192x384xi32, #tpu.memory_space<hbm>> -> memref<32x384xi32, #tpu.memory_space<hbm>>
    tpu.wait_dma2 semaphore(%arg17 : memref<!tpu.dma_semaphore, #tpu.memory_space<semaphore_mem>>) src(%arg5 : memref<32x384xi32, #tpu.memory_space<vmem>>) dst(%dma_wait3A_33 : memref<32x384xi32, #tpu.memory_space<hbm>>)
    %add3A_34 = arith.constant 128 : i32
    %add3A_35 = arith.addi %mul3A_2, %add3A_34 : i32
    "tpu.region"() ({
      %run_scoped3A = tpu.sem_alloc : memref<!tpu.dma_semaphore, #tpu.memory_space<semaphore_mem>>
      %dma_start3A_145 = tpu.memref_slice %arg3[%add3A_35] : memref<8192xi32, #tpu.memory_space<hbm>> -> memref<32xi32, #tpu.memory_space<hbm>>
      %dma_start3A_146 = tpu.memref_slice %arg3[%add3A_35] : memref<8192xi32, #tpu.memory_space<hbm>> -> memref<32xi32, #tpu.memory_space<hbm>>
      tpu.enqueue_dma source(%dma_start3A_146 : memref<32xi32, #tpu.memory_space<hbm>>) target(%arg9 : memref<32xi32, #tpu.memory_space<vmem>>) target_semaphore(%run_scoped3A : memref<!tpu.dma_semaphore, #tpu.memory_space<semaphore_mem>>)
      %dma_wait3A_147 = tpu.memref_slice %arg3[%add3A_35] : memref<8192xi32, #tpu.memory_space<hbm>> -> memref<32xi32, #tpu.memory_space<hbm>>
      %dma_wait3A_148 = tpu.memref_slice %arg3[%add3A_35] : memref<8192xi32, #tpu.memory_space<hbm>> -> memref<32xi32, #tpu.memory_space<hbm>>
      tpu.wait_dma2 semaphore(%run_scoped3A : memref<!tpu.dma_semaphore, #tpu.memory_space<semaphore_mem>>) src(%dma_wait3A_148 : memref<32xi32, #tpu.memory_space<hbm>>) dst(%arg9 : memref<32xi32, #tpu.memory_space<vmem>>)
      tpu.yield
    }) : () -> ()
    %dma_start3A_36 = arith.constant 0 : i32
    %dma_start3A_37 = arith.constant 0 : i32
    %dma_start3A_38 = tpu.memref_slice %arg2[%dma_start3A_36, %dma_start3A_37] : memref<13520x384xi32, #tpu.memory_space<hbm>> -> memref<13520x384xi32, #tpu.memory_space<hbm>>
    tpu.enqueue_indirect_dma source(%dma_start3A_38 : memref<13520x384xi32, #tpu.memory_space<hbm>>) target(%arg5 : memref<32x384xi32, #tpu.memory_space<vmem>>) offsets(%arg9 : memref<32xi32, #tpu.memory_space<vmem>>) semaphore(%arg13 : memref<!tpu.dma_semaphore, #tpu.memory_space<semaphore_mem>>)
    %dma_wait3A_39 = arith.constant 0 : i32
    %dma_wait3A_40 = arith.constant 0 : i32
    %dma_wait3A_41 = tpu.memref_slice %arg2[%dma_wait3A_39, %dma_wait3A_40] : memref<13520x384xi32, #tpu.memory_space<hbm>> -> memref<13520x384xi32, #tpu.memory_space<hbm>>
    tpu.wait_indirect_dma semaphore(%arg14 : memref<!tpu.dma_semaphore, #tpu.memory_space<semaphore_mem>>) src(%dma_wait3A_41 : memref<13520x384xi32, #tpu.memory_space<hbm>>) dst(%arg6 : memref<32x384xi32, #tpu.memory_space<vmem>>)
    %add3A_42 = arith.constant 32 : i32
    %add3A_43 = arith.addi %mul3A_2, %add3A_42 : i32
    %dma_start3A_44 = arith.constant 0 : i32
    %dma_start3A_45 = tpu.memref_slice %arg4[%add3A_43, %dma_start3A_44] : memref<8192x384xi32, #tpu.memory_space<hbm>> -> memref<32x384xi32, #tpu.memory_space<hbm>>
    %dma_start3A_46 = arith.constant 0 : i32
    %dma_start3A_47 = tpu.memref_slice %arg4[%add3A_43, %dma_start3A_46] : memref<8192x384xi32, #tpu.memory_space<hbm>> -> memref<32x384xi32, #tpu.memory_space<hbm>>
    tpu.enqueue_dma source(%arg6 : memref<32x384xi32, #tpu.memory_space<vmem>>) target(%dma_start3A_47 : memref<32x384xi32, #tpu.memory_space<hbm>>) target_semaphore(%arg18 : memref<!tpu.dma_semaphore, #tpu.memory_space<semaphore_mem>>)
    %dma_wait3A_48 = arith.constant 0 : i32
    %dma_wait3A_49 = tpu.memref_slice %arg4[%add3A_43, %dma_wait3A_48] : memref<8192x384xi32, #tpu.memory_space<hbm>> -> memref<32x384xi32, #tpu.memory_space<hbm>>
    %dma_wait3A_50 = arith.constant 0 : i32
    %dma_wait3A_51 = tpu.memref_slice %arg4[%add3A_43, %dma_wait3A_50] : memref<8192x384xi32, #tpu.memory_space<hbm>> -> memref<32x384xi32, #tpu.memory_space<hbm>>
    tpu.wait_dma2 semaphore(%arg18 : memref<!tpu.dma_semaphore, #tpu.memory_space<semaphore_mem>>) src(%arg6 : memref<32x384xi32, #tpu.memory_space<vmem>>) dst(%dma_wait3A_51 : memref<32x384xi32, #tpu.memory_space<hbm>>)
    %add3A_52 = arith.constant 160 : i32
    %add3A_53 = arith.addi %mul3A_2, %add3A_52 : i32
    "tpu.region"() ({
      %run_scoped3A = tpu.sem_alloc : memref<!tpu.dma_semaphore, #tpu.memory_space<semaphore_mem>>
      %dma_start3A_145 = tpu.memref_slice %arg3[%add3A_53] : memref<8192xi32, #tpu.memory_space<hbm>> -> memref<32xi32, #tpu.memory_space<hbm>>
      %dma_start3A_146 = tpu.memref_slice %arg3[%add3A_53] : memref<8192xi32, #tpu.memory_space<hbm>> -> memref<32xi32, #tpu.memory_space<hbm>>
      tpu.enqueue_dma source(%dma_start3A_146 : memref<32xi32, #tpu.memory_space<hbm>>) target(%arg10 : memref<32xi32, #tpu.memory_space<vmem>>) target_semaphore(%run_scoped3A : memref<!tpu.dma_semaphore, #tpu.memory_space<semaphore_mem>>)
      %dma_wait3A_147 = tpu.memref_slice %arg3[%add3A_53] : memref<8192xi32, #tpu.memory_space<hbm>> -> memref<32xi32, #tpu.memory_space<hbm>>
      %dma_wait3A_148 = tpu.memref_slice %arg3[%add3A_53] : memref<8192xi32, #tpu.memory_space<hbm>> -> memref<32xi32, #tpu.memory_space<hbm>>
      tpu.wait_dma2 semaphore(%run_scoped3A : memref<!tpu.dma_semaphore, #tpu.memory_space<semaphore_mem>>) src(%dma_wait3A_148 : memref<32xi32, #tpu.memory_space<hbm>>) dst(%arg10 : memref<32xi32, #tpu.memory_space<vmem>>)
      tpu.yield
    }) : () -> ()
    %dma_start3A_54 = arith.constant 0 : i32
    %dma_start3A_55 = arith.constant 0 : i32
    %dma_start3A_56 = tpu.memref_slice %arg2[%dma_start3A_54, %dma_start3A_55] : memref<13520x384xi32, #tpu.memory_space<hbm>> -> memref<13520x384xi32, #tpu.memory_space<hbm>>
    tpu.enqueue_indirect_dma source(%dma_start3A_56 : memref<13520x384xi32, #tpu.memory_space<hbm>>) target(%arg6 : memref<32x384xi32, #tpu.memory_space<vmem>>) offsets(%arg10 : memref<32xi32, #tpu.memory_space<vmem>>) semaphore(%arg14 : memref<!tpu.dma_semaphore, #tpu.memory_space<semaphore_mem>>)
    %dma_wait3A_57 = arith.constant 0 : i32
    %dma_wait3A_58 = arith.constant 0 : i32
    %dma_wait3A_59 = tpu.memref_slice %arg2[%dma_wait3A_57, %dma_wait3A_58] : memref<13520x384xi32, #tpu.memory_space<hbm>> -> memref<13520x384xi32, #tpu.memory_space<hbm>>
    tpu.wait_indirect_dma semaphore(%arg15 : memref<!tpu.dma_semaphore, #tpu.memory_space<semaphore_mem>>) src(%dma_wait3A_59 : memref<13520x384xi32, #tpu.memory_space<hbm>>) dst(%arg7 : memref<32x384xi32, #tpu.memory_space<vmem>>)
    %add3A_60 = arith.constant 64 : i32
    %add3A_61 = arith.addi %mul3A_2, %add3A_60 : i32
    %dma_start3A_62 = arith.constant 0 : i32
    %dma_start3A_63 = tpu.memref_slice %arg4[%add3A_61, %dma_start3A_62] : memref<8192x384xi32, #tpu.memory_space<hbm>> -> memref<32x384xi32, #tpu.memory_space<hbm>>
    %dma_start3A_64 = arith.constant 0 : i32
    %dma_start3A_65 = tpu.memref_slice %arg4[%add3A_61, %dma_start3A_64] : memref<8192x384xi32, #tpu.memory_space<hbm>> -> memref<32x384xi32, #tpu.memory_space<hbm>>
    tpu.enqueue_dma source(%arg7 : memref<32x384xi32, #tpu.memory_space<vmem>>) target(%dma_start3A_65 : memref<32x384xi32, #tpu.memory_space<hbm>>) target_semaphore(%arg19 : memref<!tpu.dma_semaphore, #tpu.memory_space<semaphore_mem>>)
    %dma_wait3A_66 = arith.constant 0 : i32
    %dma_wait3A_67 = tpu.memref_slice %arg4[%add3A_61, %dma_wait3A_66] : memref<8192x384xi32, #tpu.memory_space<hbm>> -> memref<32x384xi32, #tpu.memory_space<hbm>>
    %dma_wait3A_68 = arith.constant 0 : i32
    %dma_wait3A_69 = tpu.memref_slice %arg4[%add3A_61, %dma_wait3A_68] : memref<8192x384xi32, #tpu.memory_space<hbm>> -> memref<32x384xi32, #tpu.memory_space<hbm>>
    tpu.wait_dma2 semaphore(%arg19 : memref<!tpu.dma_semaphore, #tpu.memory_space<semaphore_mem>>) src(%arg7 : memref<32x384xi32, #tpu.memory_space<vmem>>) dst(%dma_wait3A_69 : memref<32x384xi32, #tpu.memory_space<hbm>>)
    %add3A_70 = arith.constant 192 : i32
    %add3A_71 = arith.addi %mul3A_2, %add3A_70 : i32
    "tpu.region"() ({
      %run_scoped3A = tpu.sem_alloc : memref<!tpu.dma_semaphore, #tpu.memory_space<semaphore_mem>>
      %dma_start3A_145 = tpu.memref_slice %arg3[%add3A_71] : memref<8192xi32, #tpu.memory_space<hbm>> -> memref<32xi32, #tpu.memory_space<hbm>>
      %dma_start3A_146 = tpu.memref_slice %arg3[%add3A_71] : memref<8192xi32, #tpu.memory_space<hbm>> -> memref<32xi32, #tpu.memory_space<hbm>>
      tpu.enqueue_dma source(%dma_start3A_146 : memref<32xi32, #tpu.memory_space<hbm>>) target(%arg11 : memref<32xi32, #tpu.memory_space<vmem>>) target_semaphore(%run_scoped3A : memref<!tpu.dma_semaphore, #tpu.memory_space<semaphore_mem>>)
      %dma_wait3A_147 = tpu.memref_slice %arg3[%add3A_71] : memref<8192xi32, #tpu.memory_space<hbm>> -> memref<32xi32, #tpu.memory_space<hbm>>
      %dma_wait3A_148 = tpu.memref_slice %arg3[%add3A_71] : memref<8192xi32, #tpu.memory_space<hbm>> -> memref<32xi32, #tpu.memory_space<hbm>>
      tpu.wait_dma2 semaphore(%run_scoped3A : memref<!tpu.dma_semaphore, #tpu.memory_space<semaphore_mem>>) src(%dma_wait3A_148 : memref<32xi32, #tpu.memory_space<hbm>>) dst(%arg11 : memref<32xi32, #tpu.memory_space<vmem>>)
      tpu.yield
    }) : () -> ()
    %dma_start3A_72 = arith.constant 0 : i32
    %dma_start3A_73 = arith.constant 0 : i32
    %dma_start3A_74 = tpu.memref_slice %arg2[%dma_start3A_72, %dma_start3A_73] : memref<13520x384xi32, #tpu.memory_space<hbm>> -> memref<13520x384xi32, #tpu.memory_space<hbm>>
    tpu.enqueue_indirect_dma source(%dma_start3A_74 : memref<13520x384xi32, #tpu.memory_space<hbm>>) target(%arg7 : memref<32x384xi32, #tpu.memory_space<vmem>>) offsets(%arg11 : memref<32xi32, #tpu.memory_space<vmem>>) semaphore(%arg15 : memref<!tpu.dma_semaphore, #tpu.memory_space<semaphore_mem>>)
    %dma_wait3A_75 = arith.constant 0 : i32
    %dma_wait3A_76 = arith.constant 0 : i32
    %dma_wait3A_77 = tpu.memref_slice %arg2[%dma_wait3A_75, %dma_wait3A_76] : memref<13520x384xi32, #tpu.memory_space<hbm>> -> memref<13520x384xi32, #tpu.memory_space<hbm>>
    tpu.wait_indirect_dma semaphore(%arg16 : memref<!tpu.dma_semaphore, #tpu.memory_space<semaphore_mem>>) src(%dma_wait3A_77 : memref<13520x384xi32, #tpu.memory_space<hbm>>) dst(%arg8 : memref<32x384xi32, #tpu.memory_space<vmem>>)
    %add3A_78 = arith.constant 96 : i32
    %add3A_79 = arith.addi %mul3A_2, %add3A_78 : i32
    %dma_start3A_80 = arith.constant 0 : i32
    %dma_start3A_81 = tpu.memref_slice %arg4[%add3A_79, %dma_start3A_80] : memref<8192x384xi32, #tpu.memory_space<hbm>> -> memref<32x384xi32, #tpu.memory_space<hbm>>
    %dma_start3A_82 = arith.constant 0 : i32
    %dma_start3A_83 = tpu.memref_slice %arg4[%add3A_79, %dma_start3A_82] : memref<8192x384xi32, #tpu.memory_space<hbm>> -> memref<32x384xi32, #tpu.memory_space<hbm>>
    tpu.enqueue_dma source(%arg8 : memref<32x384xi32, #tpu.memory_space<vmem>>) target(%dma_start3A_83 : memref<32x384xi32, #tpu.memory_space<hbm>>) target_semaphore(%arg20 : memref<!tpu.dma_semaphore, #tpu.memory_space<semaphore_mem>>)
    %dma_wait3A_84 = arith.constant 0 : i32
    %dma_wait3A_85 = tpu.memref_slice %arg4[%add3A_79, %dma_wait3A_84] : memref<8192x384xi32, #tpu.memory_space<hbm>> -> memref<32x384xi32, #tpu.memory_space<hbm>>
    %dma_wait3A_86 = arith.constant 0 : i32
    %dma_wait3A_87 = tpu.memref_slice %arg4[%add3A_79, %dma_wait3A_86] : memref<8192x384xi32, #tpu.memory_space<hbm>> -> memref<32x384xi32, #tpu.memory_space<hbm>>
    tpu.wait_dma2 semaphore(%arg20 : memref<!tpu.dma_semaphore, #tpu.memory_space<semaphore_mem>>) src(%arg8 : memref<32x384xi32, #tpu.memory_space<vmem>>) dst(%dma_wait3A_87 : memref<32x384xi32, #tpu.memory_space<hbm>>)
    %add3A_88 = arith.constant 224 : i32
    %add3A_89 = arith.addi %mul3A_2, %add3A_88 : i32
    "tpu.region"() ({
      %run_scoped3A = tpu.sem_alloc : memref<!tpu.dma_semaphore, #tpu.memory_space<semaphore_mem>>
      %dma_start3A_145 = tpu.memref_slice %arg3[%add3A_89] : memref<8192xi32, #tpu.memory_space<hbm>> -> memref<32xi32, #tpu.memory_space<hbm>>
      %dma_start3A_146 = tpu.memref_slice %arg3[%add3A_89] : memref<8192xi32, #tpu.memory_space<hbm>> -> memref<32xi32, #tpu.memory_space<hbm>>
      tpu.enqueue_dma source(%dma_start3A_146 : memref<32xi32, #tpu.memory_space<hbm>>) target(%arg12 : memref<32xi32, #tpu.memory_space<vmem>>) target_semaphore(%run_scoped3A : memref<!tpu.dma_semaphore, #tpu.memory_space<semaphore_mem>>)
      %dma_wait3A_147 = tpu.memref_slice %arg3[%add3A_89] : memref<8192xi32, #tpu.memory_space<hbm>> -> memref<32xi32, #tpu.memory_space<hbm>>
      %dma_wait3A_148 = tpu.memref_slice %arg3[%add3A_89] : memref<8192xi32, #tpu.memory_space<hbm>> -> memref<32xi32, #tpu.memory_space<hbm>>
      tpu.wait_dma2 semaphore(%run_scoped3A : memref<!tpu.dma_semaphore, #tpu.memory_space<semaphore_mem>>) src(%dma_wait3A_148 : memref<32xi32, #tpu.memory_space<hbm>>) dst(%arg12 : memref<32xi32, #tpu.memory_space<vmem>>)
      tpu.yield
    }) : () -> ()
    %dma_start3A_90 = arith.constant 0 : i32
    %dma_start3A_91 = arith.constant 0 : i32
    %dma_start3A_92 = tpu.memref_slice %arg2[%dma_start3A_90, %dma_start3A_91] : memref<13520x384xi32, #tpu.memory_space<hbm>> -> memref<13520x384xi32, #tpu.memory_space<hbm>>
    tpu.enqueue_indirect_dma source(%dma_start3A_92 : memref<13520x384xi32, #tpu.memory_space<hbm>>) target(%arg8 : memref<32x384xi32, #tpu.memory_space<vmem>>) offsets(%arg12 : memref<32xi32, #tpu.memory_space<vmem>>) semaphore(%arg16 : memref<!tpu.dma_semaphore, #tpu.memory_space<semaphore_mem>>)
    %dma_wait3A_93 = arith.constant 0 : i32
    %dma_wait3A_94 = arith.constant 0 : i32
    %dma_wait3A_95 = tpu.memref_slice %arg2[%dma_wait3A_93, %dma_wait3A_94] : memref<13520x384xi32, #tpu.memory_space<hbm>> -> memref<13520x384xi32, #tpu.memory_space<hbm>>
    tpu.wait_indirect_dma semaphore(%arg13 : memref<!tpu.dma_semaphore, #tpu.memory_space<semaphore_mem>>) src(%dma_wait3A_95 : memref<13520x384xi32, #tpu.memory_space<hbm>>) dst(%arg5 : memref<32x384xi32, #tpu.memory_space<vmem>>)
    %add3A_96 = arith.constant 128 : i32
    %add3A_97 = arith.addi %mul3A_2, %add3A_96 : i32
    %dma_start3A_98 = arith.constant 0 : i32
    %dma_start3A_99 = tpu.memref_slice %arg4[%add3A_97, %dma_start3A_98] : memref<8192x384xi32, #tpu.memory_space<hbm>> -> memref<32x384xi32, #tpu.memory_space<hbm>>
    %dma_start3A_100 = arith.constant 0 : i32
    %dma_start3A_101 = tpu.memref_slice %arg4[%add3A_97, %dma_start3A_100] : memref<8192x384xi32, #tpu.memory_space<hbm>> -> memref<32x384xi32, #tpu.memory_space<hbm>>
    tpu.enqueue_dma source(%arg5 : memref<32x384xi32, #tpu.memory_space<vmem>>) target(%dma_start3A_101 : memref<32x384xi32, #tpu.memory_space<hbm>>) target_semaphore(%arg17 : memref<!tpu.dma_semaphore, #tpu.memory_space<semaphore_mem>>)
    %dma_wait3A_102 = arith.constant 0 : i32
    %dma_wait3A_103 = arith.constant 0 : i32
    %dma_wait3A_104 = tpu.memref_slice %arg2[%dma_wait3A_102, %dma_wait3A_103] : memref<13520x384xi32, #tpu.memory_space<hbm>> -> memref<13520x384xi32, #tpu.memory_space<hbm>>
    tpu.wait_indirect_dma semaphore(%arg14 : memref<!tpu.dma_semaphore, #tpu.memory_space<semaphore_mem>>) src(%dma_wait3A_104 : memref<13520x384xi32, #tpu.memory_space<hbm>>) dst(%arg6 : memref<32x384xi32, #tpu.memory_space<vmem>>)
    %add3A_105 = arith.constant 160 : i32
    %add3A_106 = arith.addi %mul3A_2, %add3A_105 : i32
    %dma_start3A_107 = arith.constant 0 : i32
    %dma_start3A_108 = tpu.memref_slice %arg4[%add3A_106, %dma_start3A_107] : memref<8192x384xi32, #tpu.memory_space<hbm>> -> memref<32x384xi32, #tpu.memory_space<hbm>>
    %dma_start3A_109 = arith.constant 0 : i32
    %dma_start3A_110 = tpu.memref_slice %arg4[%add3A_106, %dma_start3A_109] : memref<8192x384xi32, #tpu.memory_space<hbm>> -> memref<32x384xi32, #tpu.memory_space<hbm>>
    tpu.enqueue_dma source(%arg6 : memref<32x384xi32, #tpu.memory_space<vmem>>) target(%dma_start3A_110 : memref<32x384xi32, #tpu.memory_space<hbm>>) target_semaphore(%arg18 : memref<!tpu.dma_semaphore, #tpu.memory_space<semaphore_mem>>)
    %dma_wait3A_111 = arith.constant 0 : i32
    %dma_wait3A_112 = arith.constant 0 : i32
    %dma_wait3A_113 = tpu.memref_slice %arg2[%dma_wait3A_111, %dma_wait3A_112] : memref<13520x384xi32, #tpu.memory_space<hbm>> -> memref<13520x384xi32, #tpu.memory_space<hbm>>
    tpu.wait_indirect_dma semaphore(%arg15 : memref<!tpu.dma_semaphore, #tpu.memory_space<semaphore_mem>>) src(%dma_wait3A_113 : memref<13520x384xi32, #tpu.memory_space<hbm>>) dst(%arg7 : memref<32x384xi32, #tpu.memory_space<vmem>>)
    %add3A_114 = arith.constant 192 : i32
    %add3A_115 = arith.addi %mul3A_2, %add3A_114 : i32
    %dma_start3A_116 = arith.constant 0 : i32
    %dma_start3A_117 = tpu.memref_slice %arg4[%add3A_115, %dma_start3A_116] : memref<8192x384xi32, #tpu.memory_space<hbm>> -> memref<32x384xi32, #tpu.memory_space<hbm>>
    %dma_start3A_118 = arith.constant 0 : i32
    %dma_start3A_119 = tpu.memref_slice %arg4[%add3A_115, %dma_start3A_118] : memref<8192x384xi32, #tpu.memory_space<hbm>> -> memref<32x384xi32, #tpu.memory_space<hbm>>
    tpu.enqueue_dma source(%arg7 : memref<32x384xi32, #tpu.memory_space<vmem>>) target(%dma_start3A_119 : memref<32x384xi32, #tpu.memory_space<hbm>>) target_semaphore(%arg19 : memref<!tpu.dma_semaphore, #tpu.memory_space<semaphore_mem>>)
    %dma_wait3A_120 = arith.constant 0 : i32
    %dma_wait3A_121 = arith.constant 0 : i32
    %dma_wait3A_122 = tpu.memref_slice %arg2[%dma_wait3A_120, %dma_wait3A_121] : memref<13520x384xi32, #tpu.memory_space<hbm>> -> memref<13520x384xi32, #tpu.memory_space<hbm>>
    tpu.wait_indirect_dma semaphore(%arg16 : memref<!tpu.dma_semaphore, #tpu.memory_space<semaphore_mem>>) src(%dma_wait3A_122 : memref<13520x384xi32, #tpu.memory_space<hbm>>) dst(%arg8 : memref<32x384xi32, #tpu.memory_space<vmem>>)
    %add3A_123 = arith.constant 224 : i32
    %add3A_124 = arith.addi %mul3A_2, %add3A_123 : i32
    %dma_start3A_125 = arith.constant 0 : i32
    %dma_start3A_126 = tpu.memref_slice %arg4[%add3A_124, %dma_start3A_125] : memref<8192x384xi32, #tpu.memory_space<hbm>> -> memref<32x384xi32, #tpu.memory_space<hbm>>
    %dma_start3A_127 = arith.constant 0 : i32
    %dma_start3A_128 = tpu.memref_slice %arg4[%add3A_124, %dma_start3A_127] : memref<8192x384xi32, #tpu.memory_space<hbm>> -> memref<32x384xi32, #tpu.memory_space<hbm>>
    tpu.enqueue_dma source(%arg8 : memref<32x384xi32, #tpu.memory_space<vmem>>) target(%dma_start3A_128 : memref<32x384xi32, #tpu.memory_space<hbm>>) target_semaphore(%arg20 : memref<!tpu.dma_semaphore, #tpu.memory_space<semaphore_mem>>)
    %dma_wait3A_129 = arith.constant 0 : i32
    %dma_wait3A_130 = tpu.memref_slice %arg4[%add3A_97, %dma_wait3A_129] : memref<8192x384xi32, #tpu.memory_space<hbm>> -> memref<32x384xi32, #tpu.memory_space<hbm>>
    %dma_wait3A_131 = arith.constant 0 : i32
    %dma_wait3A_132 = tpu.memref_slice %arg4[%add3A_97, %dma_wait3A_131] : memref<8192x384xi32, #tpu.memory_space<hbm>> -> memref<32x384xi32, #tpu.memory_space<hbm>>
    tpu.wait_dma2 semaphore(%arg17 : memref<!tpu.dma_semaphore, #tpu.memory_space<semaphore_mem>>) src(%arg5 : memref<32x384xi32, #tpu.memory_space<vmem>>) dst(%dma_wait3A_132 : memref<32x384xi32, #tpu.memory_space<hbm>>)
    %dma_wait3A_133 = arith.constant 0 : i32
    %dma_wait3A_134 = tpu.memref_slice %arg4[%add3A_106, %dma_wait3A_133] : memref<8192x384xi32, #tpu.memory_space<hbm>> -> memref<32x384xi32, #tpu.memory_space<hbm>>
    %dma_wait3A_135 = arith.constant 0 : i32
    %dma_wait3A_136 = tpu.memref_slice %arg4[%add3A_106, %dma_wait3A_135] : memref<8192x384xi32, #tpu.memory_space<hbm>> -> memref<32x384xi32, #tpu.memory_space<hbm>>
    tpu.wait_dma2 semaphore(%arg18 : memref<!tpu.dma_semaphore, #tpu.memory_space<semaphore_mem>>) src(%arg6 : memref<32x384xi32, #tpu.memory_space<vmem>>) dst(%dma_wait3A_136 : memref<32x384xi32, #tpu.memory_space<hbm>>)
    %dma_wait3A_137 = arith.constant 0 : i32
    %dma_wait3A_138 = tpu.memref_slice %arg4[%add3A_115, %dma_wait3A_137] : memref<8192x384xi32, #tpu.memory_space<hbm>> -> memref<32x384xi32, #tpu.memory_space<hbm>>
    %dma_wait3A_139 = arith.constant 0 : i32
    %dma_wait3A_140 = tpu.memref_slice %arg4[%add3A_115, %dma_wait3A_139] : memref<8192x384xi32, #tpu.memory_space<hbm>> -> memref<32x384xi32, #tpu.memory_space<hbm>>
    tpu.wait_dma2 semaphore(%arg19 : memref<!tpu.dma_semaphore, #tpu.memory_space<semaphore_mem>>) src(%arg7 : memref<32x384xi32, #tpu.memory_space<vmem>>) dst(%dma_wait3A_140 : memref<32x384xi32, #tpu.memory_space<hbm>>)
    %dma_wait3A_141 = arith.constant 0 : i32
    %dma_wait3A_142 = tpu.memref_slice %arg4[%add3A_124, %dma_wait3A_141] : memref<8192x384xi32, #tpu.memory_space<hbm>> -> memref<32x384xi32, #tpu.memory_space<hbm>>
    %dma_wait3A_143 = arith.constant 0 : i32
    %dma_wait3A_144 = tpu.memref_slice %arg4[%add3A_124, %dma_wait3A_143] : memref<8192x384xi32, #tpu.memory_space<hbm>> -> memref<32x384xi32, #tpu.memory_space<hbm>>
    tpu.wait_dma2 semaphore(%arg20 : memref<!tpu.dma_semaphore, #tpu.memory_space<semaphore_mem>>) src(%arg8 : memref<32x384xi32, #tpu.memory_space<vmem>>) dst(%dma_wait3A_144 : memref<32x384xi32, #tpu.memory_space<hbm>>)
    return
  }
}

module attributes {stable_mosaic.version = 14 : i64} {
  func.func @_router_body(%arg0: i32, %arg1: memref<1024x768xf32, #tpu.memory_space<vmem>>, %arg2: memref<64x768xf32, #tpu.memory_space<vmem>>, %arg3: memref<64x1xf32, #tpu.memory_space<vmem>>, %arg4: memref<64x1024xf32, #tpu.memory_space<vmem>>, %arg5: memref<1x1x1024xi32, #tpu.memory_space<vmem>>, %arg6: memref<1024x384xi32, #tpu.memory_space<vmem>>, %arg7: memref<64x128xf32, #tpu.memory_space<vmem>>) attributes {dimension_semantics = [#tpu.dimension_semantics<arbitrary>], iteration_bounds = array<i64: 8>, scalar_prefetch = 0 : i64, scratch_operands = 1 : i64, tpu.core_type = #tpu.core_type<tc>, window_params = [{transform_indices = @transform_0, window_bounds = array<i64: 1024, 768>}, {pipeline_mode = #tpu.pipeline_mode<synchronous>, transform_indices = @transform_1, window_bounds = array<i64: 64, 768>}, {pipeline_mode = #tpu.pipeline_mode<synchronous>, transform_indices = @transform_2, window_bounds = array<i64: 64, 1>}, {transform_indices = @transform_3, window_bounds = array<i64: 64, 1024>}, {transform_indices = @transform_4, window_bounds = array<i64: 1, 1, 1024>}, {transform_indices = @transform_5, window_bounds = array<i64: 1024, 384>}]} {
    %eq3A = arith.constant 0 : i32
    %eq3A_0 = arith.cmpi eq, %arg0, %eq3A : i32
    %convert_element_type3A = arith.extui %eq3A_0 : i1 to i32
    %cond3A = arith.constant 0 : i32
    %cond3A_1 = arith.cmpi ne, %convert_element_type3A, %cond3A : i32
    scf.if %cond3A_1 {
      %broadcast_in_dim3A_127 = arith.constant 0.000000e+00 : f32
      %broadcast_in_dim3A_128 = vector.broadcast %broadcast_in_dim3A_127 : f32 to vector<64x128xf32>
      %swap3A_129 = arith.constant 0 : index
      %swap3A_130 = arith.constant 0 : index
      %swap3A_131 = vector.load %arg7[%swap3A_129, %swap3A_130] : memref<64x128xf32, #tpu.memory_space<vmem>>, vector<64x128xf32>
      tpu.vector_store %arg7[%swap3A_129, %swap3A_130], %broadcast_in_dim3A_128 {strides = array<i32>} : memref<64x128xf32, #tpu.memory_space<vmem>>, vector<64x128xf32>,
    } else {
    }
    %get3A = arith.constant 0 : index
    %get3A_2 = arith.constant 0 : index
    %get3A_3 = vector.load %arg2[%get3A, %get3A_2] : memref<64x768xf32, #tpu.memory_space<vmem>>, vector<64x768xf32>
    %get3A_4 = arith.constant 0 : index
    %get3A_5 = arith.constant 0 : index
    %get3A_6 = vector.load %arg1[%get3A_4, %get3A_5] : memref<1024x768xf32, #tpu.memory_space<vmem>>, vector<1024x768xf32>
    %dot_general3A = arith.constant dense<0.000000e+00> : vector<64x1024xf32>
    %dot_general3A_7 = tpu.matmul %get3A_3, %get3A_6, %dot_general3A {dimension_numbers = #tpu.dot_dimension_numbers<[1], [1], [0], [0], [0, 0, 1, 0], [], []>, transpose_lhs_hint = false} : vector<64x768xf32>, vector<1024x768xf32>, vector<64x1024xf32> -> vector<64x1024xf32>
    %get3A_8 = arith.constant 0 : index
    %get3A_9 = arith.constant 0 : index
    %get3A_10 = vector.load %arg3[%get3A_8, %get3A_9] : memref<64x1xf32, #tpu.memory_space<vmem>>, vector<64x1xf32>
    %add3A = vector.broadcast %get3A_10 : vector<64x1xf32> to vector<64x1024xf32>
    %add3A_11 = arith.addf %dot_general3A_7, %add3A : vector<64x1024xf32>
    %get3A_12 = arith.constant 0 : index
    %get3A_13 = arith.constant 0 : index
    %get3A_14 = vector.load %arg4[%get3A_12, %get3A_13] : memref<64x1024xf32, #tpu.memory_space<vmem>>, vector<64x1024xf32>
    %add3A_15 = arith.addf %add3A_11, %get3A_14 : vector<64x1024xf32>
    %reduce_max3A = arith.constant dense<0xFF800000> : vector<1024xf32>
    %reduce_max3A_16 = vector.multi_reduction <maximumf>, %add3A_15, %reduce_max3A [0] : vector<64x1024xf32> to vector<1024xf32>
    %broadcast_in_dim3A = vector.shape_cast %reduce_max3A_16 : vector<1024xf32> to vector<1x1024xf32>
    %sub3A = vector.broadcast %broadcast_in_dim3A : vector<1x1024xf32> to vector<64x1024xf32>
    %sub3A_17 = arith.subf %add3A_15, %sub3A : vector<64x1024xf32>
    %exp3A = math.exp %sub3A_17 : vector<64x1024xf32>
    %reduce_sum3A = arith.constant dense<0.000000e+00> : vector<1024xf32>
    %reduce_sum3A_18 = vector.multi_reduction <add>, %exp3A, %reduce_sum3A [0] : vector<64x1024xf32> to vector<1024xf32>
    %broadcast_in_dim3A_19 = vector.shape_cast %reduce_sum3A_18 : vector<1024xf32> to vector<1x1024xf32>
    %div3A = vector.broadcast %broadcast_in_dim3A_19 : vector<1x1024xf32> to vector<64x1024xf32>
    %div3A_20 = arith.divf %exp3A, %div3A : vector<64x1024xf32>
    %iota3A = tpu.iota {dimensions = array<i32: 0>} : vector<64x1024xi32>
    %reduce_max3A_21 = arith.constant dense<0xFF800000> : vector<1024xf32>
    %reduce_max3A_22 = vector.multi_reduction <maximumf>, %div3A_20, %reduce_max3A_21 [0] : vector<64x1024xf32> to vector<1024xf32>
    %broadcast_in_dim3A_23 = vector.shape_cast %reduce_max3A_22 : vector<1024xf32> to vector<1x1024xf32>
    %eq3A_24 = vector.broadcast %broadcast_in_dim3A_23 : vector<1x1024xf32> to vector<64x1024xf32>
    %eq3A_25 = arith.cmpf oeq, %div3A_20, %eq3A_24 : vector<64x1024xf32>
    %jit3A = arith.constant 1048576 : i32
    %broadcast_in_dim3A_26 = vector.broadcast %jit3A : i32 to vector<64x1024xi32>
    %select_n3A = arith.select %eq3A_25, %iota3A, %broadcast_in_dim3A_26 : vector<64x1024xi1>, vector<64x1024xi32>
    %reduce_min3A = arith.constant dense<2147483647> : vector<1024xi32>
    %reduce_min3A_27 = vector.multi_reduction <minsi>, %select_n3A, %reduce_min3A [0] : vector<64x1024xi32> to vector<1024xi32>
    %broadcast_in_dim3A_28 = vector.shape_cast %reduce_min3A_27 : vector<1024xi32> to vector<1x1024xi32>
    %eq3A_29 = vector.broadcast %broadcast_in_dim3A_28 : vector<1x1024xi32> to vector<64x1024xi32>
    %eq3A_30 = arith.cmpi eq, %iota3A, %eq3A_29 : vector<64x1024xi32>
    %jit3A_31 = arith.constant -1.000000e+00 : f32
    %broadcast_in_dim3A_32 = vector.broadcast %jit3A_31 : f32 to vector<64x1024xf32>
    %select_n3A_33 = arith.select %eq3A_30, %broadcast_in_dim3A_32, %div3A_20 : vector<64x1024xi1>, vector<64x1024xf32>
    %reduce_max3A_34 = arith.constant dense<0xFF800000> : vector<1024xf32>
    %reduce_max3A_35 = vector.multi_reduction <maximumf>, %select_n3A_33, %reduce_max3A_34 [0] : vector<64x1024xf32> to vector<1024xf32>
    %broadcast_in_dim3A_36 = vector.shape_cast %reduce_max3A_35 : vector<1024xf32> to vector<1x1024xf32>
    %eq3A_37 = vector.broadcast %broadcast_in_dim3A_36 : vector<1x1024xf32> to vector<64x1024xf32>
    %eq3A_38 = arith.cmpf oeq, %select_n3A_33, %eq3A_37 : vector<64x1024xf32>
    %jit3A_39 = arith.constant 1048576 : i32
    %broadcast_in_dim3A_40 = vector.broadcast %jit3A_39 : i32 to vector<64x1024xi32>
    %select_n3A_41 = arith.select %eq3A_38, %iota3A, %broadcast_in_dim3A_40 : vector<64x1024xi1>, vector<64x1024xi32>
    %reduce_min3A_42 = arith.constant dense<2147483647> : vector<1024xi32>
    %reduce_min3A_43 = vector.multi_reduction <minsi>, %select_n3A_41, %reduce_min3A_42 [0] : vector<64x1024xi32> to vector<1024xi32>
    %broadcast_in_dim3A_44 = vector.shape_cast %reduce_min3A_43 : vector<1024xi32> to vector<1x1024xi32>
    %eq3A_45 = vector.broadcast %broadcast_in_dim3A_44 : vector<1x1024xi32> to vector<64x1024xi32>
    %eq3A_46 = arith.cmpi eq, %iota3A, %eq3A_45 : vector<64x1024xi32>
    %or3A = arith.ori %eq3A_30, %eq3A_46 : vector<64x1024xi1>
    %convert_element_type3A_47 = arith.extui %or3A : vector<64x1024xi1> to vector<64x1024xi32>
    %convert_element_type3A_48 = arith.sitofp %convert_element_type3A_47 : vector<64x1024xi32> to vector<64x1024xf32>
    %iota3A_49 = tpu.iota {dimensions = array<i32: 0>} : vector<1024x1024xi32>
    %iota3A_50 = tpu.iota {dimensions = array<i32: 1>} : vector<1024x1024xi32>
    %lt3A = arith.cmpi slt, %iota3A_49, %iota3A_50 : vector<1024x1024xi32>
    %convert_element_type3A_51 = arith.extui %lt3A : vector<1024x1024xi1> to vector<1024x1024xi32>
    %convert_element_type3A_52 = arith.sitofp %convert_element_type3A_51 : vector<1024x1024xi32> to vector<1024x1024xf32>
    %convert_element_type3A_53 = arith.truncf %convert_element_type3A_52 : vector<1024x1024xf32> to vector<1024x1024xbf16>
    %convert_element_type3A_54 = arith.truncf %convert_element_type3A_48 : vector<64x1024xf32> to vector<64x1024xbf16>
    %dot_general3A_55 = arith.constant dense<0.000000e+00> : vector<64x1024xf32>
    %dot_general3A_56 = tpu.matmul %convert_element_type3A_54, %convert_element_type3A_53, %dot_general3A_55 {dimension_numbers = #tpu.dot_dimension_numbers<[1], [0], [0], [1], [0, 0, 1, 1], [], []>, transpose_lhs_hint = false} : vector<64x1024xbf16>, vector<1024x1024xbf16>, vector<64x1024xf32> -> vector<64x1024xf32>
    %get3A_57 = arith.constant 0 : index
    %get3A_58 = arith.constant 0 : index
    %get3A_59 = vector.load %arg7[%get3A_57, %get3A_58] : memref<64x128xf32, #tpu.memory_space<vmem>>, vector<64x1xf32>
    %add3A_60 = vector.broadcast %get3A_59 : vector<64x1xf32> to vector<64x1024xf32>
    %add3A_61 = arith.addf %dot_general3A_56, %add3A_60 : vector<64x1024xf32>
    %reduce_sum3A_62 = arith.constant dense<0.000000e+00> : vector<64xf32>
    %reduce_sum3A_63 = vector.multi_reduction <add>, %convert_element_type3A_48, %reduce_sum3A_62 [1] : vector<64x1024xf32> to vector<64xf32>
    %broadcast_in_dim3A_64 = vector.shape_cast %reduce_sum3A_63 : vector<64xf32> to vector<64x1xf32>
    %add3A_65 = arith.addf %get3A_59, %broadcast_in_dim3A_64 : vector<64x1xf32>
    %broadcast_in_dim3A_66 = vector.shape_cast %add3A_65 : vector<64x1xf32> to vector<64x1xf32>
    %broadcast_in_dim3A_67 = vector.broadcast %broadcast_in_dim3A_66 : vector<64x1xf32> to vector<64x128xf32>
    %swap3A = arith.constant 0 : index
    %swap3A_68 = arith.constant 0 : index
    %swap3A_69 = vector.load %arg7[%swap3A, %swap3A_68] : memref<64x128xf32, #tpu.memory_space<vmem>>, vector<64x128xf32>
    tpu.vector_store %arg7[%swap3A, %swap3A_68], %broadcast_in_dim3A_67 {strides = array<i32>} : memref<64x128xf32, #tpu.memory_space<vmem>>, vector<64x128xf32>,
    %jit3A_70 = arith.constant 0.000000e+00 : f32
    %broadcast_in_dim3A_71 = vector.broadcast %jit3A_70 : f32 to vector<64x1024xf32>
    %select_n3A_72 = arith.select %eq3A_30, %add3A_61, %broadcast_in_dim3A_71 : vector<64x1024xi1>, vector<64x1024xf32>
    %reduce_sum3A_73 = arith.constant dense<0.000000e+00> : vector<1024xf32>
    %reduce_sum3A_74 = vector.multi_reduction <add>, %select_n3A_72, %reduce_sum3A_73 [0] : vector<64x1024xf32> to vector<1024xf32>
    %broadcast_in_dim3A_75 = vector.shape_cast %reduce_sum3A_74 : vector<1024xf32> to vector<1x1024xf32>
    %convert_element_type3A_76 = arith.fptosi %broadcast_in_dim3A_75 : vector<1x1024xf32> to vector<1x1024xi32>
    %jit3A_77 = arith.constant 0.000000e+00 : f32
    %broadcast_in_dim3A_78 = vector.broadcast %jit3A_77 : f32 to vector<64x1024xf32>
    %select_n3A_79 = arith.select %eq3A_46, %add3A_61, %broadcast_in_dim3A_78 : vector<64x1024xi1>, vector<64x1024xf32>
    %reduce_sum3A_80 = arith.constant dense<0.000000e+00> : vector<1024xf32>
    %reduce_sum3A_81 = vector.multi_reduction <add>, %select_n3A_79, %reduce_sum3A_80 [0] : vector<64x1024xf32> to vector<1024xf32>
    %broadcast_in_dim3A_82 = vector.shape_cast %reduce_sum3A_81 : vector<1024xf32> to vector<1x1024xf32>
    %convert_element_type3A_83 = arith.fptosi %broadcast_in_dim3A_82 : vector<1x1024xf32> to vector<1x1024xi32>
    %lt3A_84 = arith.constant 205 : i32
    %lt3A_85 = vector.broadcast %lt3A_84 : i32 to vector<1x1024xi32>
    %lt3A_86 = arith.cmpi slt, %convert_element_type3A_76, %lt3A_85 : vector<1x1024xi32>
    %lt3A_87 = arith.constant 205 : i32
    %lt3A_88 = vector.broadcast %lt3A_87 : i32 to vector<1x1024xi32>
    %lt3A_89 = arith.cmpi slt, %convert_element_type3A_83, %lt3A_88 : vector<1x1024xi32>
    %not3A = arith.constant dense<true> : vector<1x1024xi1>
    %not3A_90 = arith.xori %lt3A_86, %not3A : vector<1x1024xi1>
    %gt3A = arith.cmpi sgt, %broadcast_in_dim3A_44, %broadcast_in_dim3A_28 : vector<1x1024xi32>
    %or3A_91 = arith.ori %not3A_90, %gt3A : vector<1x1024xi1>
    %and3A = arith.andi %lt3A_89, %or3A_91 : vector<1x1024xi1>
    %mul3A = arith.constant 208 : i32
    %mul3A_92 = vector.broadcast %mul3A : i32 to vector<1x1024xi32>
    %mul3A_93 = arith.muli %broadcast_in_dim3A_44, %mul3A_92 : vector<1x1024xi32>
    %add3A_94 = arith.addi %mul3A_93, %convert_element_type3A_83 : vector<1x1024xi32>
    %mul3A_95 = arith.constant 208 : i32
    %mul3A_96 = vector.broadcast %mul3A_95 : i32 to vector<1x1024xi32>
    %mul3A_97 = arith.muli %broadcast_in_dim3A_28, %mul3A_96 : vector<1x1024xi32>
    %add3A_98 = arith.addi %mul3A_97, %convert_element_type3A_76 : vector<1x1024xi32>
    %jit3A_99 = arith.constant 13312 : i32
    %broadcast_in_dim3A_100 = vector.broadcast %jit3A_99 : i32 to vector<1x1024xi32>
    %select_n3A_101 = arith.select %lt3A_86, %add3A_98, %broadcast_in_dim3A_100 : vector<1x1024xi1>, vector<1x1024xi32>
    %select_n3A_102 = arith.select %and3A, %add3A_94, %select_n3A_101 : vector<1x1024xi1>, vector<1x1024xi32>
    %swap3A_103 = arith.constant 0 : index
    %swap3A_104 = arith.constant 0 : index
    %swap3A_105 = arith.constant 0 : index
    %swap3A_106 = vector.load %arg5[%swap3A_103, %swap3A_104, %swap3A_105] : memref<1x1x1024xi32, #tpu.memory_space<vmem>>, vector<1x1x1024xi32>
    %swap3A_107 = vector.shape_cast %swap3A_106 : vector<1x1x1024xi32> to vector<1x1024xi32>
    %swap3A_108 = vector.shape_cast %select_n3A_102 : vector<1x1024xi32> to vector<1x1x1024xi32>
    tpu.vector_store %arg5[%swap3A_103, %swap3A_104, %swap3A_105], %swap3A_108 {strides = array<i32>} : memref<1x1x1024xi32, #tpu.memory_space<vmem>>, vector<1x1x1024xi32>,
    %get3A_109 = arith.constant 0 : index
    %get3A_110 = arith.constant 0 : index
    %get3A_111 = vector.load %arg1[%get3A_109, %get3A_110] : memref<1024x768xf32, #tpu.memory_space<vmem>>, vector<1024x768xf32>
    %slice3A = vector.extract_strided_slice %get3A_111 {offsets = [0, 0], sizes = [1024, 384], strides = [1, 1]} : vector<1024x768xf32> to vector<1024x384xf32>
    %slice3A_112 = vector.extract_strided_slice %get3A_111 {offsets = [0, 384], sizes = [1024, 384], strides = [1, 1]} : vector<1024x768xf32> to vector<1024x384xf32>
    %convert_element_type3A_113 = arith.truncf %slice3A : vector<1024x384xf32> to vector<1024x384xbf16>
    %convert_element_type3A_114 = arith.extf %convert_element_type3A_113 : vector<1024x384xbf16> to vector<1024x384xf32>
    %bitcast_convert_type3A = tpu.bitcast %convert_element_type3A_114 : vector<1024x384xf32> -> vector<1024x384xi32>
    %convert_element_type3A_115 = arith.truncf %slice3A_112 : vector<1024x384xf32> to vector<1024x384xbf16>
    %convert_element_type3A_116 = arith.extf %convert_element_type3A_115 : vector<1024x384xbf16> to vector<1024x384xf32>
    %bitcast_convert_type3A_117 = tpu.bitcast %convert_element_type3A_116 : vector<1024x384xf32> -> vector<1024x384xi32>
    %shift_right_logical3A = arith.constant 16 : i32
    %shift_right_logical3A_118 = vector.broadcast %shift_right_logical3A : i32 to vector<1024x384xi32>
    %shift_right_logical3A_119 = arith.shrui %bitcast_convert_type3A, %shift_right_logical3A_118 : vector<1024x384xi32>
    %and3A_120 = arith.constant -65536 : i32
    %and3A_121 = vector.broadcast %and3A_120 : i32 to vector<1024x384xi32>
    %and3A_122 = arith.andi %bitcast_convert_type3A_117, %and3A_121 : vector<1024x384xi32>
    %or3A_123 = arith.ori %shift_right_logical3A_119, %and3A_122 : vector<1024x384xi32>
    %swap3A_124 = arith.constant 0 : index
    %swap3A_125 = arith.constant 0 : index
    %swap3A_126 = vector.load %arg6[%swap3A_124, %swap3A_125] : memref<1024x384xi32, #tpu.memory_space<vmem>>, vector<1024x384xi32>
    tpu.vector_store %arg6[%swap3A_124, %swap3A_125], %or3A_123 {strides = array<i32>} : memref<1024x384xi32, #tpu.memory_space<vmem>>, vector<1024x384xi32>,
    return
  }
  func.func @transform_0(%arg0: i32) -> (i32, i32) {
    %c0_i32 = arith.constant 0 : i32
    %c0_i32_0 = arith.constant 0 : i32
    return %arg0, %c0_i32 : i32, i32
  }
  func.func @transform_1(%arg0: i32) -> (i32, i32) {
    %c0_i32 = arith.constant 0 : i32
    %c0_i32_0 = arith.constant 0 : i32
    %c0_i32_1 = arith.constant 0 : i32
    return %c0_i32, %c0_i32_0 : i32, i32
  }
  func.func @transform_2(%arg0: i32) -> (i32, i32) {
    %c0_i32 = arith.constant 0 : i32
    %c0_i32_0 = arith.constant 0 : i32
    %c0_i32_1 = arith.constant 0 : i32
    return %c0_i32, %c0_i32_0 : i32, i32
  }
  func.func @transform_3(%arg0: i32) -> (i32, i32) {
    %c0_i32 = arith.constant 0 : i32
    %c0_i32_0 = arith.constant 0 : i32
    return %c0_i32, %arg0 : i32, i32
  }
  func.func @transform_4(%arg0: i32) -> (i32, i32, i32) {
    %c0_i32 = arith.constant 0 : i32
    %c0_i32_0 = arith.constant 0 : i32
    %c0_i32_1 = arith.constant 0 : i32
    return %arg0, %c0_i32, %c0_i32_0 : i32, i32, i32
  }
  func.func @transform_5(%arg0: i32) -> (i32, i32) {
    %c0_i32 = arith.constant 0 : i32
    %c0_i32_0 = arith.constant 0 : i32
    return %arg0, %c0_i32 : i32, i32
  }
}

module attributes {stable_mosaic.version = 14 : i64} {
  func.func @_mlp_body(%arg0: i32, %arg1: memref<208x384xi32, #tpu.memory_space<vmem>>, %arg2: memref<1x2048x768xf32, #tpu.memory_space<vmem>>, %arg3: memref<1x1x2048xf32, #tpu.memory_space<vmem>>, %arg4: memref<1x768x2048xf32, #tpu.memory_space<vmem>>, %arg5: memref<1x1x768xf32, #tpu.memory_space<vmem>>, %arg6: memref<208x384xi32, #tpu.memory_space<vmem>>) attributes {dimension_semantics = [#tpu.dimension_semantics<arbitrary>], iteration_bounds = array<i64: 65>, scalar_prefetch = 0 : i64, scratch_operands = 0 : i64, tpu.core_type = #tpu.core_type<tc>, window_params = [{transform_indices = @transform_0, window_bounds = array<i64: 208, 384>}, {transform_indices = @transform_1, window_bounds = array<i64: 1, 2048, 768>}, {transform_indices = @transform_2, window_bounds = array<i64: 1, 1, 2048>}, {transform_indices = @transform_3, window_bounds = array<i64: 1, 768, 2048>}, {transform_indices = @transform_4, window_bounds = array<i64: 1, 1, 768>}, {transform_indices = @transform_5, window_bounds = array<i64: 208, 384>}]} {
    %eq3A = arith.constant 64 : i32
    %eq3A_0 = arith.cmpi eq, %arg0, %eq3A : i32
    %convert_element_type3A = arith.extui %eq3A_0 : i1 to i32
    %cond3A = arith.constant 0 : i32
    %cond3A_1 = arith.cmpi ne, %convert_element_type3A, %cond3A : i32
    scf.if %cond3A_1 {
      %broadcast_in_dim3A = arith.constant 0 : i32
      %broadcast_in_dim3A_6 = vector.broadcast %broadcast_in_dim3A : i32 to vector<208x384xi32>
      %swap3A = arith.constant 0 : index
      %swap3A_7 = arith.constant 0 : index
      %swap3A_8 = vector.load %arg6[%swap3A, %swap3A_7] : memref<208x384xi32, #tpu.memory_space<vmem>>, vector<208x384xi32>
      tpu.vector_store %arg6[%swap3A, %swap3A_7], %broadcast_in_dim3A_6 {strides = array<i32>} : memref<208x384xi32, #tpu.memory_space<vmem>>, vector<208x384xi32>,
    } else {
    }
    %lt3A = arith.constant 64 : i32
    %lt3A_2 = arith.cmpi slt, %arg0, %lt3A : i32
    %convert_element_type3A_3 = arith.extui %lt3A_2 : i1 to i32
    %cond3A_4 = arith.constant 0 : i32
    %cond3A_5 = arith.cmpi ne, %convert_element_type3A_3, %cond3A_4 : i32
    scf.if %cond3A_5 {
      %get3A = arith.constant 0 : index
      %get3A_6 = arith.constant 0 : index
      %get3A_7 = vector.load %arg1[%get3A, %get3A_6] : memref<208x384xi32, #tpu.memory_space<vmem>>, vector<208x384xi32>
      %shift_left3A = arith.constant 16 : i32
      %shift_left3A_8 = vector.broadcast %shift_left3A : i32 to vector<208x384xi32>
      %shift_left3A_9 = arith.shli %get3A_7, %shift_left3A_8 : vector<208x384xi32>
      %bitcast_convert_type3A = tpu.bitcast %shift_left3A_9 : vector<208x384xi32> -> vector<208x384xf32>
      %and3A = arith.constant -65536 : i32
      %and3A_10 = vector.broadcast %and3A : i32 to vector<208x384xi32>
      %and3A_11 = arith.andi %get3A_7, %and3A_10 : vector<208x384xi32>
      %bitcast_convert_type3A_12 = tpu.bitcast %and3A_11 : vector<208x384xi32> -> vector<208x384xf32>
      %convert_element_type3A_13 = arith.truncf %bitcast_convert_type3A : vector<208x384xf32> to vector<208x384xbf16>
      %convert_element_type3A_14 = arith.truncf %bitcast_convert_type3A_12 : vector<208x384xf32> to vector<208x384xbf16>
      %get3A_15 = arith.constant 0 : index
      %get3A_16 = arith.constant 0 : index
      %get3A_17 = arith.constant 0 : index
      %get3A_18 = vector.load %arg2[%get3A_15, %get3A_16, %get3A_17] : memref<1x2048x768xf32, #tpu.memory_space<vmem>>, vector<1x2048x768xf32>
      %get3A_19 = vector.shape_cast %get3A_18 : vector<1x2048x768xf32> to vector<2048x768xf32>
      %convert_element_type3A_20 = arith.truncf %get3A_19 : vector<2048x768xf32> to vector<2048x768xbf16>
      %slice3A = vector.extract_strided_slice %convert_element_type3A_20 {offsets = [0, 0], sizes = [2048, 384], strides = [1, 1]} : vector<2048x768xbf16> to vector<2048x384xbf16>
      %dot_general3A = arith.constant dense<0.000000e+00> : vector<208x2048xf32>
      %dot_general3A_21 = tpu.matmul %convert_element_type3A_13, %slice3A, %dot_general3A {dimension_numbers = #tpu.dot_dimension_numbers<[1], [1], [0], [0], [0, 0, 1, 0], [], []>, transpose_lhs_hint = false} : vector<208x384xbf16>, vector<2048x384xbf16>, vector<208x2048xf32> -> vector<208x2048xf32>
      %slice3A_22 = vector.extract_strided_slice %convert_element_type3A_20 {offsets = [0, 384], sizes = [2048, 384], strides = [1, 1]} : vector<2048x768xbf16> to vector<2048x384xbf16>
      %dot_general3A_23 = arith.constant dense<0.000000e+00> : vector<208x2048xf32>
      %dot_general3A_24 = tpu.matmul %convert_element_type3A_14, %slice3A_22, %dot_general3A_23 {dimension_numbers = #tpu.dot_dimension_numbers<[1], [1], [0], [0], [0, 0, 1, 0], [], []>, transpose_lhs_hint = false} : vector<208x384xbf16>, vector<2048x384xbf16>, vector<208x2048xf32> -> vector<208x2048xf32>
      %add3A = arith.addf %dot_general3A_21, %dot_general3A_24 : vector<208x2048xf32>
      %get3A_25 = arith.constant 0 : index
      %get3A_26 = arith.constant 0 : index
      %get3A_27 = arith.constant 0 : index
      %get3A_28 = vector.load %arg3[%get3A_25, %get3A_26, %get3A_27] : memref<1x1x2048xf32, #tpu.memory_space<vmem>>, vector<1x1x2048xf32>
      %get3A_29 = vector.shape_cast %get3A_28 : vector<1x1x2048xf32> to vector<1x2048xf32>
      %add3A_30 = vector.broadcast %get3A_29 : vector<1x2048xf32> to vector<208x2048xf32>
      %add3A_31 = arith.addf %add3A, %add3A_30 : vector<208x2048xf32>
      %mul3A = arith.constant 5.000000e-01 : f32
      %mul3A_32 = vector.broadcast %mul3A : f32 to vector<208x2048xf32>
      %mul3A_33 = arith.mulf %mul3A_32, %add3A_31 : vector<208x2048xf32>
      %mul3A_34 = arith.constant 0.707106769 : f32
      %mul3A_35 = vector.broadcast %mul3A_34 : f32 to vector<208x2048xf32>
      %mul3A_36 = arith.mulf %add3A_31, %mul3A_35 : vector<208x2048xf32>
      %erf3A = math.erf %mul3A_36 : vector<208x2048xf32>
      %add3A_37 = arith.constant 1.000000e+00 : f32
      %add3A_38 = vector.broadcast %add3A_37 : f32 to vector<208x2048xf32>
      %add3A_39 = arith.addf %add3A_38, %erf3A : vector<208x2048xf32>
      %mul3A_40 = arith.mulf %mul3A_33, %add3A_39 : vector<208x2048xf32>
      %convert_element_type3A_41 = arith.truncf %mul3A_40 : vector<208x2048xf32> to vector<208x2048xbf16>
      %get3A_42 = arith.constant 0 : index
      %get3A_43 = arith.constant 0 : index
      %get3A_44 = arith.constant 0 : index
      %get3A_45 = vector.load %arg4[%get3A_42, %get3A_43, %get3A_44] : memref<1x768x2048xf32, #tpu.memory_space<vmem>>, vector<1x768x2048xf32>
      %get3A_46 = vector.shape_cast %get3A_45 : vector<1x768x2048xf32> to vector<768x2048xf32>
      %convert_element_type3A_47 = arith.truncf %get3A_46 : vector<768x2048xf32> to vector<768x2048xbf16>
      %dot_general3A_48 = arith.constant dense<0.000000e+00> : vector<208x768xf32>
      %dot_general3A_49 = tpu.matmul %convert_element_type3A_41, %convert_element_type3A_47, %dot_general3A_48 {dimension_numbers = #tpu.dot_dimension_numbers<[1], [1], [0], [0], [0, 0, 1, 0], [], []>, transpose_lhs_hint = false} : vector<208x2048xbf16>, vector<768x2048xbf16>, vector<208x768xf32> -> vector<208x768xf32>
      %get3A_50 = arith.constant 0 : index
      %get3A_51 = arith.constant 0 : index
      %get3A_52 = arith.constant 0 : index
      %get3A_53 = vector.load %arg5[%get3A_50, %get3A_51, %get3A_52] : memref<1x1x768xf32, #tpu.memory_space<vmem>>, vector<1x1x768xf32>
      %get3A_54 = vector.shape_cast %get3A_53 : vector<1x1x768xf32> to vector<1x768xf32>
      %add3A_55 = vector.broadcast %get3A_54 : vector<1x768xf32> to vector<208x768xf32>
      %add3A_56 = arith.addf %dot_general3A_49, %add3A_55 : vector<208x768xf32>
      %slice3A_57 = vector.extract_strided_slice %add3A_56 {offsets = [0, 0], sizes = [208, 384], strides = [1, 1]} : vector<208x768xf32> to vector<208x384xf32>
      %slice3A_58 = vector.extract_strided_slice %add3A_56 {offsets = [0, 384], sizes = [208, 384], strides = [1, 1]} : vector<208x768xf32> to vector<208x384xf32>
      %convert_element_type3A_59 = arith.truncf %slice3A_57 : vector<208x384xf32> to vector<208x384xbf16>
      %convert_element_type3A_60 = arith.extf %convert_element_type3A_59 : vector<208x384xbf16> to vector<208x384xf32>
      %bitcast_convert_type3A_61 = tpu.bitcast %convert_element_type3A_60 : vector<208x384xf32> -> vector<208x384xi32>
      %convert_element_type3A_62 = arith.truncf %slice3A_58 : vector<208x384xf32> to vector<208x384xbf16>
      %convert_element_type3A_63 = arith.extf %convert_element_type3A_62 : vector<208x384xbf16> to vector<208x384xf32>
      %bitcast_convert_type3A_64 = tpu.bitcast %convert_element_type3A_63 : vector<208x384xf32> -> vector<208x384xi32>
      %shift_right_logical3A = arith.constant 16 : i32
      %shift_right_logical3A_65 = vector.broadcast %shift_right_logical3A : i32 to vector<208x384xi32>
      %shift_right_logical3A_66 = arith.shrui %bitcast_convert_type3A_61, %shift_right_logical3A_65 : vector<208x384xi32>
      %and3A_67 = arith.constant -65536 : i32
      %and3A_68 = vector.broadcast %and3A_67 : i32 to vector<208x384xi32>
      %and3A_69 = arith.andi %bitcast_convert_type3A_64, %and3A_68 : vector<208x384xi32>
      %or3A = arith.ori %shift_right_logical3A_66, %and3A_69 : vector<208x384xi32>
      %swap3A = arith.constant 0 : index
      %swap3A_70 = arith.constant 0 : index
      %swap3A_71 = vector.load %arg6[%swap3A, %swap3A_70] : memref<208x384xi32, #tpu.memory_space<vmem>>, vector<208x384xi32>
      tpu.vector_store %arg6[%swap3A, %swap3A_70], %or3A {strides = array<i32>} : memref<208x384xi32, #tpu.memory_space<vmem>>, vector<208x384xi32>,
    } else {
    }
    return
  }
  func.func @transform_0(%arg0: i32) -> (i32, i32) {
    %c0_i32 = arith.constant 0 : i32
    %c0_i32_0 = arith.constant 0 : i32
    return %arg0, %c0_i32 : i32, i32
  }
  func.func @transform_1(%arg0: i32) -> (i32, i32, i32) {
    %min3A = arith.constant 63 : i32
    %min3A_0 = arith.minsi %arg0, %min3A : i32
    %c0_i32 = arith.constant 0 : i32
    %c0_i32_1 = arith.constant 0 : i32
    %c0_i32_2 = arith.constant 0 : i32
    return %min3A_0, %c0_i32, %c0_i32_1 : i32, i32, i32
  }
  func.func @transform_2(%arg0: i32) -> (i32, i32, i32) {
    %min3A = arith.constant 63 : i32
    %min3A_0 = arith.minsi %arg0, %min3A : i32
    %c0_i32 = arith.constant 0 : i32
    %c0_i32_1 = arith.constant 0 : i32
    %c0_i32_2 = arith.constant 0 : i32
    return %min3A_0, %c0_i32, %c0_i32_1 : i32, i32, i32
  }
  func.func @transform_3(%arg0: i32) -> (i32, i32, i32) {
    %min3A = arith.constant 63 : i32
    %min3A_0 = arith.minsi %arg0, %min3A : i32
    %c0_i32 = arith.constant 0 : i32
    %c0_i32_1 = arith.constant 0 : i32
    %c0_i32_2 = arith.constant 0 : i32
    return %min3A_0, %c0_i32, %c0_i32_1 : i32, i32, i32
  }
  func.func @transform_4(%arg0: i32) -> (i32, i32, i32) {
    %min3A = arith.constant 63 : i32
    %min3A_0 = arith.minsi %arg0, %min3A : i32
    %c0_i32 = arith.constant 0 : i32
    %c0_i32_1 = arith.constant 0 : i32
    %c0_i32_2 = arith.constant 0 : i32
    return %min3A_0, %c0_i32, %c0_i32_1 : i32, i32, i32
  }
  func.func @transform_5(%arg0: i32) -> (i32, i32) {
    %c0_i32 = arith.constant 0 : i32
    %c0_i32_0 = arith.constant 0 : i32
    return %arg0, %c0_i32 : i32, i32
  }
}

module attributes {stable_mosaic.version = 14 : i64} {
  func.func @_unpack_body(%arg0: i32, %arg1: memref<1024x384xi32, #tpu.memory_space<vmem>>, %arg2: memref<1024x768xf32, #tpu.memory_space<vmem>>) attributes {dimension_semantics = [#tpu.dimension_semantics<arbitrary>], iteration_bounds = array<i64: 8>, scalar_prefetch = 0 : i64, scratch_operands = 0 : i64, tpu.core_type = #tpu.core_type<tc>, window_params = [{transform_indices = @transform_0, window_bounds = array<i64: 1024, 384>}, {transform_indices = @transform_1, window_bounds = array<i64: 1024, 768>}]} {
    %get3A = arith.constant 0 : index
    %get3A_0 = arith.constant 0 : index
    %get3A_1 = vector.load %arg1[%get3A, %get3A_0] : memref<1024x384xi32, #tpu.memory_space<vmem>>, vector<1024x384xi32>
    %shift_left3A = arith.constant 16 : i32
    %shift_left3A_2 = vector.broadcast %shift_left3A : i32 to vector<1024x384xi32>
    %shift_left3A_3 = arith.shli %get3A_1, %shift_left3A_2 : vector<1024x384xi32>
    %bitcast_convert_type3A = tpu.bitcast %shift_left3A_3 : vector<1024x384xi32> -> vector<1024x384xf32>
    %and3A = arith.constant -65536 : i32
    %and3A_4 = vector.broadcast %and3A : i32 to vector<1024x384xi32>
    %and3A_5 = arith.andi %get3A_1, %and3A_4 : vector<1024x384xi32>
    %bitcast_convert_type3A_6 = tpu.bitcast %and3A_5 : vector<1024x384xi32> -> vector<1024x384xf32>
    %swap3A = arith.constant 0 : index
    %swap3A_7 = arith.constant 0 : index
    %swap3A_8 = vector.load %arg2[%swap3A, %swap3A_7] : memref<1024x768xf32, #tpu.memory_space<vmem>>, vector<1024x384xf32>
    tpu.vector_store %arg2[%swap3A, %swap3A_7], %bitcast_convert_type3A {strides = array<i32>} : memref<1024x768xf32, #tpu.memory_space<vmem>>, vector<1024x384xf32>,
    %swap3A_9 = arith.constant 0 : index
    %swap3A_10 = arith.constant 384 : index
    %swap3A_11 = vector.load %arg2[%swap3A_9, %swap3A_10] : memref<1024x768xf32, #tpu.memory_space<vmem>>, vector<1024x384xf32>
    tpu.vector_store %arg2[%swap3A_9, %swap3A_10], %bitcast_convert_type3A_6 {strides = array<i32>} : memref<1024x768xf32, #tpu.memory_space<vmem>>, vector<1024x384xf32>,
    return
  }
  func.func @transform_0(%arg0: i32) -> (i32, i32) {
    %c0_i32 = arith.constant 0 : i32
    %c0_i32_0 = arith.constant 0 : i32
    return %arg0, %c0_i32 : i32, i32
  }
  func.func @transform_1(%arg0: i32) -> (i32, i32) {
    %c0_i32 = arith.constant 0 : i32
    %c0_i32_0 = arith.constant 0 : i32
    return %arg0, %c0_i32 : i32, i32
  }
}

</mosaic_0001>

<sc_bundles>
// kernel: kernel.10.cloned.1.call-start
scs
__scs_entry_jumppad:
0x0: {  	(pc) =	sbr.rel $0x88, $3  }
0x1: {  	(tag) =	ssettag $0x0;
	lr =	simm.s32 $0x1  }
0x2: {  	[smem:$0x3F9A] =	sst lr;
	_ =	strace $0xD0000000  }
0x3: {  	_ = 	snop  }
0x4: {  	_ = 	snop  }
0x5: {  	_ = 	snop  }
0x6: {  	_ = 	snop  }
0x7: {  	_ = 	snop  }
__scs_overlays_trampoline_lowered:
0x8: {  	[smem:$0x3FA9] =	sst s0  }
0x9: {  	[smem:$0x3FAA] =	sst s1  }
0xa: {  	[smem:$0x3FAB] =	sst s2  }
0xb: {  	[smem:$0x3FAC] =	sst s3  }
0xc: {  	[smem:$0x3FAD] =	sst s4  }
0xd: {  	[smem:$0x3FAE] =	sst s5  }
0xe: {  	[smem:$0x3FAF] =	sst s6  }
0xf: {  	[smem:$0x3FB0] =	sst s7  }
0x10: {  	[smem:$0x3FB1] =	sst s8  }
0x11: {  	[smem:$0x3FB2] =	sst s9;
	s0 =	simm.s32 @!p0 $0x0  }
0x12: {  	s1 =	sld [smem:$0x3F98];
	s0 =	simm.s32 @p0 $0x1  }
0x13: {  	[smem:$0x3FB3] =	sst s0;
	s0 =	simm.s32 @!p1 $0x0  }
0x14: {  	s2 =	sld [smem:$0x3F97];
	s0 =	simm.s32 @p1 $0x1  }
0x15: {  	[smem:$0x3FB4] =	sst s0;
	s0 =	simm.s32 @!p2 $0x0  }
0x16: {  	s3 =	sld [smem:$0x3FDB];
	s0 =	simm.s32 @p2 $0x1  }
0x17: {  	s4 =	simm.s32 $0x1BF5;
	[smem:$0x3FB6] =	sst s0  }
0x18: {  	s0 =	sld [smem:$0x3F99];
	_ =	swait.ge [sflag:s4], $0x0  }
0x19: {  	s7 =	sld [smem:$0x3F9A]  }
0x1a: {  	s8 =	sadd.s32 $0xFFFFE003, lr  }
0x1b: {  	s9 =	sadd.s32 $0xFFFFFEF7, lr;
	s5 =	simm.s32 $0xFFFFFFFF;
	p2 =	slt.u32 s8, $0xFFFFF086  }
0x1c: {  	p1 =	slt.u32 s9, $0xF7A;
	s5 =	simm.s32 @!p2 $0x0  }
0x1d: {  	s5 =	simm.s32 @p1 $0x1;
	p0 =	seq.s32 s7, s2  }
0x1e: {  	s7 =	smul.u32 @!p0 $0xF7A, s2;
	p2 =	seq.s32 @!p0 s5, $0x0  }
0x1f: {  	s9 =	smul.u32 $0xF7A, s1;
	s8 =	simm.s32 @!p0 $0x1BF5;
	p2 =	por !p2, p0  }
0x20: {  	[sflag:s8] =	ssyncset.s32 @!p0 $0xFFFFF086;
	s6 =	sadd.s32 @!p0 s3, s7;
	s7 =	simm.s32 @!p0 $0x108  }
0x21: {  	s3 =	sadd.s32 s3, s9;
	s6 =	sadd.s32 @!p0 $0x88, s6;
	s7 =	simm.s32 @p2 $0x1082  }
0x22: {  	[simem:s7], [sflag:s8] =	dma.local @!p0 [hbm:s6], $0xF7A  }
0x23: {  	s9 =	sor.u32 $0xD0000000, s2;
	s6 =	simm.s32 $0x108;
	_ =	swait.ge @!p0 [sflag:s8], $0x0  }
0x24: {  	s3 =	sadd.s32 $0x88, s3;
	s6 =	simm.s32 @!p1 $0x1082;
	[sflag:s4] =	ssyncset.s32 $0xFFFFF086  }
0x25: {  	[simem:s6], [sflag:s4] =	dma.local [hbm:s3], $0xF7A  }
0x26: {  	[smem:$0x3F9A] =	sst s1;
	(tag) =	ssettag s2;
	_ =	strace s9  }
0x27: {  	s1 =	sld [smem:$0x3FAA]  }
0x28: {  	s2 =	sld [smem:$0x3FAB]  }
0x29: {  	s4 =	sld [smem:$0x3FAD]  }
0x2a: {  	p0 =	seq.s32 s5, $0x0;
	s5 =	sld [smem:$0x3FAE]  }
0x2b: {  	s6 =	sld [smem:$0x3FAF]  }
0x2c: {  	s7 =	sld [smem:$0x3FB0]  }
0x2d: {  	s3 =	simm.s32 $0x108;
	s8 =	sld [smem:$0x3FB1]  }
0x2e: {  	s3 =	simm.s32 @!p0 $0x1082;
	s9 =	sld [smem:$0x3FB2]  }
0x2f: {  	lr =	sadd.s32 s0, s3;
	s0 =	sld [smem:$0x3FA9]  }
0x30: {  	s3 =	sld [smem:$0x3FAC]  }
0x31: {  	[smem:$0x3FB5] =	sst s10  }
0x32: {  	s10 =	sld [smem:$0x3FB3];
	_ =	sdelay $0x3  }
0x33: {  	p0 =	seq.s32 s10, $0x1;
	s10 =	sld [smem:$0x3FB5];
	_ =	sdelay $0x3  }
0x34: {  	[smem:$0x3FB5] =	sst s10  }
0x35: {  	s10 =	sld [smem:$0x3FB4];
	_ =	sdelay $0x3  }
0x36: {  	p1 =	seq.s32 s10, $0x1;
	s10 =	sld [smem:$0x3FB5];
	_ =	sdelay $0x3  }
0x37: {  	[smem:$0x3FB5] =	sst s10  }
0x38: {  	s10 =	sld [smem:$0x3FB6]  }
0x39: {  	_ = 	snop;
	(pc) =	sbr.ind lr, $3  }
0x3a: {  	_ = 	snop  }
0x3b: {  	_ = 	snop  }
0x3c: {  	p2 =	seq.s32 s10, $0x1;
	s10 =	sld [smem:$0x3FB5]  }
0x3d: {  	_ =	shalt  }
0x3e: {  	_ =	shalt  }
0x3f: {  	_ =	shalt  }
0x40: {  	_ =	shalt  }
0x41: {  	_ =	shalt  }
0x42: {  	_ =	shalt  }
0x43: {  	_ =	shalt  }
0x44: {  	_ =	shalt  }
0x45: {  	_ =	shalt  }
0x46: {  	_ =	shalt  }
0x47: {  	_ =	shalt  }
0x48: {  	_ =	shalt  }
0x49: {  	_ =	shalt  }
0x4a: {  	_ =	shalt  }
0x4b: {  	_ =	shalt  }
0x4c: {  	_ =	shalt  }
0x4d: {  	_ =	shalt  }
0x4e: {  	_ =	shalt  }
0x4f: {  	_ =	shalt  }
0x50: {  	_ =	shalt  }
0x51: {  	_ =	shalt  }
0x52: {  	_ =	shalt  }
0x53: {  	_ =	shalt  }
0x54: {  	_ =	shalt  }
0x55: {  	_ =	shalt  }
0x56: {  	_ =	shalt  }
0x57: {  	_ =	shalt  }
0x58: {  	_ =	shalt  }
0x59: {  	_ =	shalt  }
0x5a: {  	_ =	shalt  }
0x5b: {  	_ =	shalt  }
0x5c: {  	_ =	shalt  }
0x5d: {  	_ =	shalt  }
0x5e: {  	_ =	shalt  }
0x5f: {  	_ =	shalt  }
0x60: {  	_ =	shalt  }
0x61: {  	_ =	shalt  }
0x62: {  	_ =	shalt  }
0x63: {  	_ =	shalt  }
0x64: {  	_ =	shalt  }
0x65: {  	_ =	shalt  }
0x66: {  	_ =	shalt  }
0x67: {  	_ =	shalt  }
0x68: {  	_ =	shalt  }
0x69: {  	_ =	shalt  }
0x6a: {  	_ =	shalt  }
0x6b: {  	_ =	shalt  }
0x6c: {  	_ =	shalt  }
0x6d: {  	_ =	shalt  }
0x6e: {  	_ =	shalt  }
0x6f: {  	_ =	shalt  }
0x70: {  	_ =	shalt  }
0x71: {  	_ =	shalt  }
0x72: {  	_ =	shalt  }
0x73: {  	_ =	shalt  }
0x74: {  	_ =	shalt  }
0x75: {  	_ =	shalt  }
0x76: {  	_ =	shalt  }
0x77: {  	_ =	shalt  }
0x78: {  	_ =	shalt  }
0x79: {  	_ =	shalt  }
0x7a: {  	_ =	shalt  }
0x7b: {  	_ =	shalt  }
0x7c: {  	_ =	shalt  }
0x7d: {  	_ =	shalt  }
0x7e: {  	_ =	shalt  }
0x7f: {  	_ =	shalt  }
0x80: {  	_ =	shalt  }
0x81: {  	_ =	shalt  }
0x82: {  	_ =	shalt  }
0x83: {  	_ =	shalt  }
0x84: {  	_ =	shalt  }
0x85: {  	_ =	shalt  }
0x86: {  	_ =	shalt  }
0x87: {  	_ =	shalt  }
.Lfunc_end0:
.L_simem_size_0:
called_computation.1_lowered:
.L_overlay_start_0:
0x88: {  	s2 =	sld [smem:$0x3FD9]  }
0x89: {  	s3 =	sld [smem:$0x3FFE];
	_ =	sdelay $0x1  }
0x8a: {  	s1 =	srdreg.scid  }
0x8b: {  	s0 =	sand.u32 $0x1, s1  }
0x8c: {  	s17 =	sshll.u32 s0, $0xA;
	s2 =	sadd.s32 s3, s2  }
0x8d: {  	s2 =	sadd.s32 s2, s17  }
0x8e: {  	[smem:$0x3FC1] =	sst s2  }
0x8f: {  	_ = 	snop  }
0x90: {  	s2 =	sld [smem:$0x3FD0];
	(tm) =	ssettm $0x1  }
0x91: {  	s18 =	sld [smem:$0x3FFB];
	_ =	sdelay $0x3  }
0x92: {  	_ =	strace s18  }
0x93: {  	s3 =	sld [smem:$0x3FFC];
	_ =	sdelay $0x3  }
0x94: {  	_ =	strace s3  }
0x95: {  	s3 =	sld [smem:$0x3FFD];
	_ =	sdelay $0x3  }
0x96: {  	_ =	strace s3  }
0x97: {  	_ =	strace $0x8FFFFFFF  }
0x98: {  	s19 =	sld [smem:$0x3FDB];
	_ =	sdelay $0x1  }
0x99: {  	s4 =	simm.s32 $_scs_section_size  }
0x9a: {  	s5 =	simm.s32 $_size__tile_overlayer_lowered;
	s6 =	simm.s32 $_tile_overlayer_lowered  }
0x9b: {  	s22 =	simm.s32 $0x1BFF;
	s21 =	sshll.u32 s6, $0x1;
	s3 =	sadd.s32 s4, s19  }
0x9c: {  	s7 =	simm.s32 $0x0;
	s20 =	sshll.u32 s5, $0x1;
	s5 =	sadd.s32 s21, s3  }
0x9d: {  	[timem:s7], [sflag:s22] =	dma.local [hbm:s5], s20  }
0x9e: {  	_ =	swait.ge [sflag:s22], s20  }
0x9f: {  	s4 =	ssub.s32 $0x0, s20;
	[sflag:s22] =	ssyncset.done $0x0  }
0xa0: {  	[sflag:s22] =	ssyncadd.s32 s4;
	_ =	sdelay $0x1  }
0xa1: {  	s23 =	simm.s32 $0x1B8B  }
0xa2: {  	_ =	swait.ge [sflag:s23], $0x1  }
0xa3: {  	[sflag:s23] =	ssyncset.done $0x0  }
0xa4: {  	s25 =	simm.s32 $0x1B8E;
	s24 =	sld [smem:$0x3FFE];
	[sflag:s23] =	ssyncadd.s32 $0xFFFFFFFF  }
0xa5: {  	s26 =	simm.s32 $execute0_lowered;
	[smem:$0x3FD2] =	sst s25  }
0xa6: {  	s5 =	sshll.u32 s26, $0x1;
	_ =	strace $0x80000049;
	[dreg:$0x1] =	wrdreg $0xFFFFFFFF  }
0xa7: {  	s28 =	simm.s32 $_size_execute0_lowered;
	s3 =	sadd.s32 s3, s5;
	[dreg:$0x0] =	wrdreg $0x0  }
0xa8: {  	s5 =	sshll.u32 s28, $0x1;
	[dreg:$0x2] =	wrdreg s3  }
0xa9: {  	[dreg:$0x3] =	wrdreg s5  }
0xaa: {  	[dreg:$0x4] =	wrdreg $0xC0  }
0xab: {  	_ =	task [dreg:s7], $0x5FFFF  }
0xac: {  	[dreg:$0x1] =	wrdreg $0xFFFFFFFF  }
0xad: {  	[dreg:$0x0] =	wrdreg $0x60  }
0xae: {  	[dreg:$0x2] =	wrdreg s2  }
0xaf: {  	[dreg:$0x3] =	wrdreg s24  }
0xb0: {  	[dreg:$0x4] =	wrdreg $0x9  }
0xb1: {  	_ =	task.clear_ibuf [dreg:s7], $0x5FFFF;
	_ =	strace $0x90000049  }
0xb2: {  	s29 =	simm.s32 $0x9;
	_ =	strace $0x8000004B  }
0xb3: {  	_ =	swait.ge [sflag:s29], $0x1  }
0xb4: {  	[sflag:s29] =	ssyncadd.s32 $0xFFFFFFFF  }
0xb5: {  	_ =	strace $0x9000004B  }
0xb6: {  	_ =	sfence  }
0xb7: {  	s30 =	sld [smem:$0x0];
	_ =	sdelay $0x2  }
0xb8: {  	s31 =	sshll.u32 s1, $0xD;
	s1 =	sshrl.u32 s1, $0x2  }
0xb9: {  	s3 =	sand.u32 $0x4000, s31;
	s1 =	sadd.s32 s1, s30  }
0xba: {  	s0 =	sor.u32 s3, s0;
	s1 =	sshll.u32 s1, $0x11  }
0xbb: {  	s0 =	sor.u32 s1, s0  }
0xbc: {  	s0 =	sadd.s32 $0x8F2B, s0  }
0xbd: {  	[sflag:s0] =	ssyncadd.remote.s32 $0x1  }
0xbe: {  	_ =	sfence.sel $0xFFFF  }
0xbf: {  	[dreg:$0x0] =	wrdreg $0xFFFFFFFF;
	(pc) =	sbr.abs _section_cstart, $3  }
0xc0: {  	[dreg:$0x1] =	wrdreg $0xFFFFFFFF  }
0xc1: {  	_ =	task.clear_ibuf [dreg:s7], $0x2FFFF;
	_ =	strace $0x9FFFFFFF  }
0xc2: {  	(tm) =	ssettm $0x7FFFFFFF  }
0xc3: {  	_ =	shalt  }
tec
execute0_lowered:
.L_overlay_start_1:
0x0: {  	(tag) =	ssettag $0x1  }
0x1: {  	s2 =	rddreg [dreg:$0x0]  }
0x2: {  	s0 =	rddreg [dreg:$0x1]  }
0x3: {  	s1 =	srdreg.scid;
	s4 =	stileid.u32  }
0x4: {  	s3 =	simm.s32 $0x0;
	s28 =	simm.s32 $0xC000;
	s29 =	simm.s32 $0x800  }
0x5: {  	s30 =	simm.s32 $0xC00;
	s31 =	simm.s32 $0x1400;
	s1 =	sand.u32 $0x1, s1  }
0x6: {  	s4 =	sshll.u32 s4, $0x6;
	[smem:$0x7FF] =	sst s3;
	s5 =	sshll.u32 s1, $0x5  }
0x7: {  	s6 =	sadd.s32 $0x61A00, s0;
	s0 =	sadd.s32 $0x1A00, s0;
	s4 =	sor.u32 s5, s4  }
0x8: {  	_ =	strace $0x8000004A;
	s1 =	ssub.s32 $0x2, s1;
	s5 =	sadd.s32 s6, s4  }
0x9: {  	s7 =	sor.u32 $0x4, s4;
	s26 =	sor.u32 $0x8, s4;
	s9 =	sor.u32 $0xC, s4  }
0xa: {  	s10 =	smul.u32 $0x180, s4;
	s13 =	sor.u32 $0x10, s4;
	s15 =	sor.u32 $0x14, s4  }
0xb: {  	s17 =	sor.u32 $0x18, s4;
	s4 =	sor.u32 $0x1C, s4;
	[dreg:$0x3] =	wrdreg s5  }
0xc: {  	s25 =	sadd.s32 s6, s7;
	s8 =	sadd.s32 s6, s26;
	s7 =	smul.u32 $0x180, s7  }
0xd: {  	s11 =	sadd.s32 s6, s9;
	s5 =	smul.u32 $0x180, s26;
	[dreg:$0x4] =	wrdreg s25  }
0xe: {  	s14 =	sadd.s32 s6, s13;
	s9 =	smul.u32 $0x180, s9;
	[dreg:$0x5] =	wrdreg s8  }
0xf: {  	s16 =	sadd.s32 s6, s15;
	s20 =	smul.u32 $0x180, s13;
	[dreg:$0x6] =	wrdreg s11  }
0x10: {  	s18 =	sadd.s32 s6, s17;
	s22 =	smul.u32 $0x180, s15;
	[dreg:$0x8] =	wrdreg s14  }
0x11: {  	s21 =	sadd.s32 s6, s4;
	s4 =	smul.u32 $0x180, s4;
	[dreg:$0xa] =	wrdreg s16  }
0x12: {  	s26 =	sshrl.u32 s1, $0x1;
	s13 =	simm.s32 $0x4400;
	[dreg:$0xc] =	wrdreg s18  }
0x13: {  	s15 =	simm.s32 $0x5000;
	s12 =	sadd.s32 s0, s10;
	[dreg:$0xe] =	wrdreg s21  }
0x14: {  	s1 =	ssub.s32 s1, s26;
	s21 =	simm.s32 $0x7;
	s10 =	simm.s32 $0xC080  }
0x15: {  	s11 =	simm.s32 $0x3800;
	s14 =	simm.s32 $0x4800;
	s16 =	simm.s32 $0x5400  }
0x16: {  	s18 =	simm.s32 $0x6000;
	[dreg:$0x7] =	wrdreg s12;
	s7 =	sadd.s32 s0, s7  }
0x17: {  	s5 =	sadd.s32 s0, s5;
	s19 =	sadd.s32 s0, s9;
	[dreg:$0x9] =	wrdreg s7  }
0x18: {  	s23 =	sadd.s32 s0, s20;
	s24 =	sadd.s32 s0, s22;
	[dreg:$0xb] =	wrdreg s5  }
0x19: {  	s9 =	simm.s32 $0x2C00;
	s12 =	simm.s32 $0x3C00;
	[dreg:$0xd] =	wrdreg s19  }
0x1a: {  	s22 =	simm.s32 $0x9000;
	s7 =	smul.u32 $0x180, s17;
	[dreg:$0xf] =	wrdreg s23  }
0x1b: {  	s20 =	simm.s32 $0x5;
	[dreg:$0x10] =	wrdreg s24;
	s5 =	smax.u32 s1, $0x1  }
0x1c: {  	v2 =	vlaneseq.u32;
	s23 =	simm.s32 $0x4;
	s24 =	simm.s32 $0x8;
	s25 =	sadd.s32 s0, s7  }
0x1d: {  	vm0 =	vmmov $0xffff;
	vm1 =	vmmov $0xff;
	v1 =	vshrl.u32 v2, $0x3;
	s0 =	sadd.s32 s0, s4;
	s4 =	sadd.s32 $0x100, s2;
	[dreg:$0x11] =	wrdreg s25  }
0x1e: {  	v0 =	vand.u32 $0x7, v2;
	v2 =	vor.u32 $0x8, v2;
	v1 =	vmul.u32 $0x8, v1;
	s7 =	simm.s32 $0x9;
	[dreg:$0x12] =	wrdreg s0;
	s25 =	simm.s32 $0x3000  }
.LBB2_1:
0x1f: {  	s26 =	rddreg [dreg:$0x3]  }
0x20: {  	[tilespmem:s28], [sflag:$0x9] =	stream.linear.gather [hbm4b:s26+s3], $0x20, $0x38;
	[tilespmem:$0xC200] =	vst v63  }
0x21: {  	_ =	swait.ge [sflag:s7], $0x20  }
0x22: {  	[sflag:s7] =	ssyncset.done $0x0  }
0x23: {  	[sflag:s7] =	ssyncadd.s32 $0xFFFFFFE0  }
0x24: {  	v3 =	vld [tilespmem:$0xC000];
	_ =	sdelay $0x4  }
0x25: {  	v4 =	vshrl.u32 v3, $0x3  }
0x26: {  	v4 =	vmul.u32 $0x18, v4  }
0x27: {  	v3 =	vand.u32 $0x7, v3  }
0x28: {  	v3 =	vor.u32 v3, v4  }
0x29: {  	v4 =	vperm.xlane v3, v0;
	_ =	sdelay $0x1  }
0x2a: {  	v4 =	vadd.s32 v1, v4;
	_ =	sdelay $0x1  }
0x2b: {  	v3 =	vperm.xlane v3, v2;
	_ =	sdelay $0x1  }
0x2c: {  	v3 =	vadd.s32 v1, v3  }
0x2d: {  	[tilespmem:s3], [sflag:$0x1] =	stream.indirect_vreg.gather [hbm4b:s2+s3], $0x80, v4, vm0, $0xb8;
	[tilespmem:$0xC200] =	vst v63  }
0x2e: {  	_ = 	snop  }
0x2f: {  	[tilespmem:s29], [sflag:$0x1] =	stream.indirect_vreg.gather [hbm4b:s4+s3], $0x80, v4, vm1, $0xb8;
	[tilespmem:$0xC200] =	vst v63  }
0x30: {  	_ = 	snop  }
0x31: {  	[tilespmem:s30], [sflag:$0x1] =	stream.indirect_vreg.gather [hbm4b:s2+s3], $0x80, v3, vm0, $0xb8;
	[tilespmem:$0xC200] =	vst v63  }
0x32: {  	_ = 	snop  }
0x33: {  	[tilespmem:s31], [sflag:$0x1] =	stream.indirect_vreg.gather [hbm4b:s4+s3], $0x80, v3, vm1, $0xb8;
	[tilespmem:$0xC200] =	vst v63  }
0x34: {  	v3 =	vld [tilespmem:$0xC010];
	_ =	sdelay $0x4  }
0x35: {  	v49 =	vshrl.u32 v3, $0x3  }
0x36: {  	v4 =	vmul.u32 $0x18, v49  }
0x37: {  	v3 =	vand.u32 $0x7, v3  }
0x38: {  	v3 =	vor.u32 v3, v4  }
0x39: {  	v4 =	vperm.xlane v3, v0;
	_ =	sdelay $0x1  }
0x3a: {  	v4 =	vadd.s32 v1, v4;
	_ =	sdelay $0x1  }
0x3b: {  	v3 =	vperm.xlane v3, v2;
	_ =	sdelay $0x1  }
0x3c: {  	s0 =	simm.s32 $0x1800;
	v3 =	vadd.s32 v1, v3  }
0x3d: {  	[tilespmem:s0], [sflag:$0x1] =	stream.indirect_vreg.gather [hbm4b:s2+s3], $0x80, v4, vm0, $0xb8;
	[tilespmem:$0xC200] =	vst v63  }
0x3e: {  	s1 =	simm.s32 $0x2000  }
0x3f: {  	[tilespmem:s1], [sflag:$0x1] =	stream.indirect_vreg.gather [hbm4b:s4+s3], $0x80, v4, vm1, $0xb8;
	[tilespmem:$0xC200] =	vst v63  }
0x40: {  	s6 =	simm.s32 $0x2400  }
0x41: {  	[tilespmem:s6], [sflag:$0x1] =	stream.indirect_vreg.gather [hbm4b:s2+s3], $0x80, v3, vm0, $0xb8;
	[tilespmem:$0xC200] =	vst v63  }
0x42: {  	_ = 	snop  }
0x43: {  	[tilespmem:s9], [sflag:$0x1] =	stream.indirect_vreg.gather [hbm4b:s4+s3], $0x80, v3, vm1, $0xb8;
	[tilespmem:$0xC200] =	vst v63  }
0x44: {  	s17 =	rddreg [dreg:$0x4]  }
0x45: {  	[tilespmem:s10], [sflag:$0x9] =	stream.linear.gather [hbm4b:s17+s3], $0x20, $0x38;
	[tilespmem:$0xC200] =	vst v63  }
0x46: {  	_ =	swait.ge [sflag:s7], $0x20  }
0x47: {  	[sflag:s7] =	ssyncset.done $0x0  }
0x48: {  	[sflag:s7] =	ssyncadd.s32 $0xFFFFFFE0  }
0x49: {  	v3 =	vld [tilespmem:$0xC080];
	_ =	sdelay $0x4  }
0x4a: {  	v50 =	vshrl.u32 v3, $0x3  }
0x4b: {  	v4 =	vmul.u32 $0x18, v50  }
0x4c: {  	v3 =	vand.u32 $0x7, v3  }
0x4d: {  	v3 =	vor.u32 v3, v4  }
0x4e: {  	v4 =	vperm.xlane v3, v0;
	_ =	sdelay $0x1  }
0x4f: {  	v4 =	vadd.s32 v1, v4;
	_ =	sdelay $0x1  }
0x50: {  	v3 =	vperm.xlane v3, v2;
	_ =	sdelay $0x1  }
0x51: {  	v3 =	vadd.s32 v1, v3  }
0x52: {  	[tilespmem:s25], [sflag:$0x2] =	stream.indirect_vreg.gather [hbm4b:s2+s3], $0x80, v4, vm0, $0xb8;
	[tilespmem:$0xC200] =	vst v63  }
0x53: {  	_ = 	snop  }
0x54: {  	[tilespmem:s11], [sflag:$0x2] =	stream.indirect_vreg.gather [hbm4b:s4+s3], $0x80, v4, vm1, $0xb8;
	[tilespmem:$0xC200] =	vst v63  }
0x55: {  	_ = 	snop  }
0x56: {  	[tilespmem:s12], [sflag:$0x2] =	stream.indirect_vreg.gather [hbm4b:s2+s3], $0x80, v3, vm0, $0xb8;
	[tilespmem:$0xC200] =	vst v63  }
0x57: {  	_ = 	snop  }
0x58: {  	[tilespmem:s13], [sflag:$0x2] =	stream.indirect_vreg.gather [hbm4b:s4+s3], $0x80, v3, vm1, $0xb8;
	[tilespmem:$0xC200] =	vst v63  }
0x59: {  	v3 =	vld [tilespmem:$0xC090];
	_ =	sdelay $0x4  }
0x5a: {  	v51 =	vshrl.u32 v3, $0x3  }
0x5b: {  	v4 =	vmul.u32 $0x18, v51  }
0x5c: {  	v3 =	vand.u32 $0x7, v3  }
0x5d: {  	v3 =	vor.u32 v3, v4  }
0x5e: {  	v4 =	vperm.xlane v3, v0;
	_ =	sdelay $0x1  }
0x5f: {  	v4 =	vadd.s32 v1, v4;
	_ =	sdelay $0x1  }
0x60: {  	v3 =	vperm.xlane v3, v2;
	_ =	sdelay $0x1  }
0x61: {  	v3 =	vadd.s32 v1, v3  }
0x62: {  	[tilespmem:s14], [sflag:$0x2] =	stream.indirect_vreg.gather [hbm4b:s2+s3], $0x80, v4, vm0, $0xb8;
	[tilespmem:$0xC200] =	vst v63  }
0x63: {  	_ = 	snop  }
0x64: {  	[tilespmem:s15], [sflag:$0x2] =	stream.indirect_vreg.gather [hbm4b:s4+s3], $0x80, v4, vm1, $0xb8;
	[tilespmem:$0xC200] =	vst v63  }
0x65: {  	_ = 	snop  }
0x66: {  	[tilespmem:s16], [sflag:$0x2] =	stream.indirect_vreg.gather [hbm4b:s2+s3], $0x80, v3, vm0, $0xb8;
	[tilespmem:$0xC200] =	vst v63  }
0x67: {  	s8 =	simm.s32 $0x5C00  }
0x68: {  	[tilespmem:s8], [sflag:$0x2] =	stream.indirect_vreg.gather [hbm4b:s4+s3], $0x80, v3, vm1, $0xb8;
	[tilespmem:$0xC200] =	vst v63  }
0x69: {  	s17 =	simm.s32 $0xC100;
	s19 =	rddreg [dreg:$0x5]  }
0x6a: {  	[tilespmem:s17], [sflag:$0x9] =	stream.linear.gather [hbm4b:s19+s3], $0x20, $0x38;
	[tilespmem:$0xC200] =	vst v63  }
0x6b: {  	_ =	swait.ge [sflag:s7], $0x20  }
0x6c: {  	[sflag:s7] =	ssyncset.done $0x0  }
0x6d: {  	[sflag:s7] =	ssyncadd.s32 $0xFFFFFFE0  }
0x6e: {  	v3 =	vld [tilespmem:$0xC100];
	_ =	sdelay $0x4  }
0x6f: {  	v52 =	vshrl.u32 v3, $0x3  }
0x70: {  	v4 =	vmul.u32 $0x18, v52  }
0x71: {  	v3 =	vand.u32 $0x7, v3  }
0x72: {  	v3 =	vor.u32 v3, v4  }
0x73: {  	v4 =	vperm.xlane v3, v0;
	_ =	sdelay $0x1  }
0x74: {  	v4 =	vadd.s32 v1, v4;
	_ =	sdelay $0x1  }
0x75: {  	v3 =	vperm.xlane v3, v2;
	_ =	sdelay $0x1  }
0x76: {  	v3 =	vadd.s32 v1, v3  }
0x77: {  	[tilespmem:s18], [sflag:$0x3] =	stream.indirect_vreg.gather [hbm4b:s2+s3], $0x80, v4, vm0, $0xb8;
	[tilespmem:$0xC200] =	vst v63  }
0x78: {  	s26 =	simm.s32 $0x6800  }
0x79: {  	[tilespmem:s26], [sflag:$0x3] =	stream.indirect_vreg.gather [hbm4b:s4+s3], $0x80, v4, vm1, $0xb8;
	[tilespmem:$0xC200] =	vst v63  }
0x7a: {  	s19 =	simm.s32 $0x6C00  }
0x7b: {  	[tilespmem:s19], [sflag:$0x3] =	stream.indirect_vreg.gather [hbm4b:s2+s3], $0x80, v3, vm0, $0xb8;
	[tilespmem:$0xC200] =	vst v63  }
0x7c: {  	s26 =	simm.s32 $0x7400  }
0x7d: {  	[tilespmem:s26], [sflag:$0x3] =	stream.indirect_vreg.gather [hbm4b:s4+s3], $0x80, v3, vm1, $0xb8;
	[tilespmem:$0xC200] =	vst v63  }
0x7e: {  	v3 =	vld [tilespmem:$0xC110];
	_ =	sdelay $0x4  }
0x7f: {  	v53 =	vshrl.u32 v3, $0x3  }
0x80: {  	v4 =	vmul.u32 $0x18, v53  }
0x81: {  	v3 =	vand.u32 $0x7, v3  }
0x82: {  	v3 =	vor.u32 v3, v4  }
0x83: {  	v4 =	vperm.xlane v3, v0;
	_ =	sdelay $0x1  }
0x84: {  	v4 =	vadd.s32 v1, v4;
	_ =	sdelay $0x1  }
0x85: {  	v3 =	vperm.xlane v3, v2;
	_ =	sdelay $0x1  }
0x86: {  	s19 =	simm.s32 $0x7800;
	v3 =	vadd.s32 v1, v3  }
0x87: {  	[tilespmem:s19], [sflag:$0x3] =	stream.indirect_vreg.gather [hbm4b:s2+s3], $0x80, v4, vm0, $0xb8;
	[tilespmem:$0xC200] =	vst v63  }
0x88: {  	s26 =	simm.s32 $0x8000  }
0x89: {  	[tilespmem:s26], [sflag:$0x3] =	stream.indirect_vreg.gather [hbm4b:s4+s3], $0x80, v4, vm1, $0xb8;
	[tilespmem:$0xC200] =	vst v63  }
0x8a: {  	s19 =	simm.s32 $0x8400  }
0x8b: {  	[tilespmem:s19], [sflag:$0x3] =	stream.indirect_vreg.gather [hbm4b:s2+s3], $0x80, v3, vm0, $0xb8;
	[tilespmem:$0xC200] =	vst v63  }
0x8c: {  	s17 =	simm.s32 $0x8C00  }
0x8d: {  	[tilespmem:s17], [sflag:$0x3] =	stream.indirect_vreg.gather [hbm4b:s4+s3], $0x80, v3, vm1, $0xb8;
	[tilespmem:$0xC200] =	vst v63  }
0x8e: {  	s26 =	rddreg [dreg:$0x6];
	s19 =	simm.s32 $0xC180  }
0x8f: {  	[tilespmem:s19], [sflag:$0x9] =	stream.linear.gather [hbm4b:s26+s3], $0x20, $0x38;
	[tilespmem:$0xC200] =	vst v63  }
0x90: {  	_ =	swait.ge [sflag:s7], $0x20  }
0x91: {  	[sflag:s7] =	ssyncset.done $0x0  }
0x92: {  	[sflag:s7] =	ssyncadd.s32 $0xFFFFFFE0  }
0x93: {  	v3 =	vld [tilespmem:$0xC180];
	_ =	sdelay $0x4  }
0x94: {  	v54 =	vshrl.u32 v3, $0x3  }
0x95: {  	v4 =	vmul.u32 $0x18, v54  }
0x96: {  	v3 =	vand.u32 $0x7, v3  }
0x97: {  	v3 =	vor.u32 v3, v4  }
0x98: {  	v4 =	vperm.xlane v3, v0;
	_ =	sdelay $0x1  }
0x99: {  	v4 =	vadd.s32 v1, v4;
	_ =	sdelay $0x1  }
0x9a: {  	v3 =	vperm.xlane v3, v2;
	_ =	sdelay $0x1  }
0x9b: {  	v3 =	vadd.s32 v1, v3  }
0x9c: {  	[tilespmem:s22], [sflag:$0x4] =	stream.indirect_vreg.gather [hbm4b:s2+s3], $0x80, v4, vm0, $0xb8;
	[tilespmem:$0xC200] =	vst v63  }
0x9d: {  	s26 =	simm.s32 $0x9800  }
0x9e: {  	[tilespmem:s26], [sflag:$0x4] =	stream.indirect_vreg.gather [hbm4b:s4+s3], $0x80, v4, vm1, $0xb8;
	[tilespmem:$0xC200] =	vst v63  }
0x9f: {  	s26 =	simm.s32 $0x9C00  }
0xa0: {  	[tilespmem:s26], [sflag:$0x4] =	stream.indirect_vreg.gather [hbm4b:s2+s3], $0x80, v3, vm0, $0xb8;
	[tilespmem:$0xC200] =	vst v63  }
0xa1: {  	s26 =	simm.s32 $0xA400  }
0xa2: {  	[tilespmem:s26], [sflag:$0x4] =	stream.indirect_vreg.gather [hbm4b:s4+s3], $0x80, v3, vm1, $0xb8;
	[tilespmem:$0xC200] =	vst v63  }
0xa3: {  	v3 =	vld [tilespmem:$0xC190];
	_ =	sdelay $0x4  }
0xa4: {  	v55 =	vshrl.u32 v3, $0x3  }
0xa5: {  	v4 =	vmul.u32 $0x18, v55  }
0xa6: {  	v3 =	vand.u32 $0x7, v3  }
0xa7: {  	v3 =	vor.u32 v3, v4  }
0xa8: {  	v4 =	vperm.xlane v3, v0;
	_ =	sdelay $0x1  }
0xa9: {  	v4 =	vadd.s32 v1, v4;
	_ =	sdelay $0x1  }
0xaa: {  	v3 =	vperm.xlane v3, v2;
	_ =	sdelay $0x1  }
0xab: {  	s26 =	simm.s32 $0xA800;
	v3 =	vadd.s32 v1, v3  }
0xac: {  	[tilespmem:s26], [sflag:$0x4] =	stream.indirect_vreg.gather [hbm4b:s2+s3], $0x80, v4, vm0, $0xb8;
	[tilespmem:$0xC200] =	vst v63  }
0xad: {  	s26 =	simm.s32 $0xB000  }
0xae: {  	[tilespmem:s26], [sflag:$0x4] =	stream.indirect_vreg.gather [hbm4b:s4+s3], $0x80, v4, vm1, $0xb8;
	[tilespmem:$0xC200] =	vst v63  }
0xaf: {  	s26 =	simm.s32 $0xB400  }
0xb0: {  	[tilespmem:s26], [sflag:$0x4] =	stream.indirect_vreg.gather [hbm4b:s2+s3], $0x80, v3, vm0, $0xb8;
	[tilespmem:$0xC200] =	vst v63  }
0xb1: {  	s19 =	simm.s32 $0x1;
	s26 =	simm.s32 $0xBC00  }
0xb2: {  	[tilespmem:s26], [sflag:$0x4] =	stream.indirect_vreg.gather [hbm4b:s4+s3], $0x80, v3, vm1, $0xb8;
	[tilespmem:$0xC200] =	vst v63  }
0xb3: {  	_ =	swait.ge [sflag:s19], $0x3000  }
0xb4: {  	[sflag:s19] =	ssyncset.done $0x0  }
0xb5: {  	s26 =	rddreg [dreg:$0x7];
	[sflag:s19] =	ssyncadd.s32 $0xFFFFD000  }
0xb6: {  	[hbm4b:s26+s3] =	stream.linear.scatter [tilespmem:s3], [sflag:$0x5], $0x3000, $0x38;
	[tilespmem:$0xC200] =	vst v63  }
0xb7: {  	_ =	swait.ge [sflag:s20], $0x3000  }
0xb8: {  	[sflag:s20] =	ssyncset.done $0x0  }
0xb9: {  	s26 =	rddreg [dreg:$0x8];
	[sflag:s20] =	ssyncadd.s32 $0xFFFFD000  }
0xba: {  	[tilespmem:s28], [sflag:$0x9] =	stream.linear.gather [hbm4b:s26+s3], $0x20, $0x38;
	[tilespmem:$0xC200] =	vst v63  }
0xbb: {  	_ =	swait.ge [sflag:s7], $0x20  }
0xbc: {  	[sflag:s7] =	ssyncset.done $0x0  }
0xbd: {  	[sflag:s7] =	ssyncadd.s32 $0xFFFFFFE0  }
0xbe: {  	v3 =	vld [tilespmem:$0xC000];
	_ =	sdelay $0x4  }
0xbf: {  	v56 =	vshrl.u32 v3, $0x3  }
0xc0: {  	v4 =	vmul.u32 $0x18, v56  }
0xc1: {  	v3 =	vand.u32 $0x7, v3  }
0xc2: {  	v3 =	vor.u32 v3, v4  }
0xc3: {  	v4 =	vperm.xlane v3, v0;
	_ =	sdelay $0x1  }
0xc4: {  	v4 =	vadd.s32 v1, v4;
	_ =	sdelay $0x1  }
0xc5: {  	v3 =	vperm.xlane v3, v2;
	_ =	sdelay $0x1  }
0xc6: {  	v3 =	vadd.s32 v1, v3  }
0xc7: {  	[tilespmem:s3], [sflag:$0x1] =	stream.indirect_vreg.gather [hbm4b:s2+s3], $0x80, v4, vm0, $0xb8;
	[tilespmem:$0xC200] =	vst v63  }
0xc8: {  	_ = 	snop  }
0xc9: {  	[tilespmem:s29], [sflag:$0x1] =	stream.indirect_vreg.gather [hbm4b:s4+s3], $0x80, v4, vm1, $0xb8;
	[tilespmem:$0xC200] =	vst v63  }
0xca: {  	_ = 	snop  }
0xcb: {  	[tilespmem:s30], [sflag:$0x1] =	stream.indirect_vreg.gather [hbm4b:s2+s3], $0x80, v3, vm0, $0xb8;
	[tilespmem:$0xC200] =	vst v63  }
0xcc: {  	_ = 	snop  }
0xcd: {  	[tilespmem:s31], [sflag:$0x1] =	stream.indirect_vreg.gather [hbm4b:s4+s3], $0x80, v3, vm1, $0xb8;
	[tilespmem:$0xC200] =	vst v63  }
0xce: {  	v3 =	vld [tilespmem:$0xC010];
	_ =	sdelay $0x4  }
0xcf: {  	v57 =	vshrl.u32 v3, $0x3  }
0xd0: {  	v4 =	vmul.u32 $0x18, v57  }
0xd1: {  	v3 =	vand.u32 $0x7, v3  }
0xd2: {  	v3 =	vor.u32 v3, v4  }
0xd3: {  	v4 =	vperm.xlane v3, v0;
	_ =	sdelay $0x1  }
0xd4: {  	v4 =	vadd.s32 v1, v4;
	_ =	sdelay $0x1  }
0xd5: {  	v3 =	vperm.xlane v3, v2;
	_ =	sdelay $0x1  }
0xd6: {  	v3 =	vadd.s32 v1, v3  }
0xd7: {  	[tilespmem:s0], [sflag:$0x1] =	stream.indirect_vreg.gather [hbm4b:s2+s3], $0x80, v4, vm0, $0xb8;
	[tilespmem:$0xC200] =	vst v63  }
0xd8: {  	_ = 	snop  }
0xd9: {  	[tilespmem:s1], [sflag:$0x1] =	stream.indirect_vreg.gather [hbm4b:s4+s3], $0x80, v4, vm1, $0xb8;
	[tilespmem:$0xC200] =	vst v63  }
0xda: {  	_ = 	snop  }
0xdb: {  	[tilespmem:s6], [sflag:$0x1] =	stream.indirect_vreg.gather [hbm4b:s2+s3], $0x80, v3, vm0, $0xb8;
	[tilespmem:$0xC200] =	vst v63  }
0xdc: {  	s0 =	simm.s32 $0x2  }
0xdd: {  	[tilespmem:s9], [sflag:$0x1] =	stream.indirect_vreg.gather [hbm4b:s4+s3], $0x80, v3, vm1, $0xb8;
	[tilespmem:$0xC200] =	vst v63  }
0xde: {  	_ =	swait.ge [sflag:s0], $0x3000  }
0xdf: {  	[sflag:s0] =	ssyncset.done $0x0  }
0xe0: {  	s1 =	rddreg [dreg:$0x9];
	[sflag:s0] =	ssyncadd.s32 $0xFFFFD000  }
0xe1: {  	[hbm4b:s1+s3] =	stream.linear.scatter [tilespmem:s25], [sflag:$0x6], $0x3000, $0x38;
	[tilespmem:$0xC200] =	vst v63  }
0xe2: {  	s1 =	simm.s32 $0x6  }
0xe3: {  	_ =	swait.ge [sflag:s1], $0x3000  }
0xe4: {  	[sflag:s1] =	ssyncset.done $0x0  }
0xe5: {  	s6 =	rddreg [dreg:$0xa];
	[sflag:s1] =	ssyncadd.s32 $0xFFFFD000  }
0xe6: {  	[tilespmem:s10], [sflag:$0x9] =	stream.linear.gather [hbm4b:s6+s3], $0x20, $0x38;
	[tilespmem:$0xC200] =	vst v63  }
0xe7: {  	_ =	swait.ge [sflag:s7], $0x20  }
0xe8: {  	[sflag:s7] =	ssyncset.done $0x0  }
0xe9: {  	[sflag:s7] =	ssyncadd.s32 $0xFFFFFFE0  }
0xea: {  	v3 =	vld [tilespmem:$0xC080];
	_ =	sdelay $0x4  }
0xeb: {  	v58 =	vshrl.u32 v3, $0x3  }
0xec: {  	v4 =	vmul.u32 $0x18, v58  }
0xed: {  	v3 =	vand.u32 $0x7, v3  }
0xee: {  	v3 =	vor.u32 v3, v4  }
0xef: {  	v4 =	vperm.xlane v3, v0;
	_ =	sdelay $0x1  }
0xf0: {  	v4 =	vadd.s32 v1, v4;
	_ =	sdelay $0x1  }
0xf1: {  	v3 =	vperm.xlane v3, v2;
	_ =	sdelay $0x1  }
0xf2: {  	v3 =	vadd.s32 v1, v3  }
0xf3: {  	[tilespmem:s25], [sflag:$0x2] =	stream.indirect_vreg.gather [hbm4b:s2+s3], $0x80, v4, vm0, $0xb8;
	[tilespmem:$0xC200] =	vst v63  }
0xf4: {  	_ = 	snop  }
0xf5: {  	[tilespmem:s11], [sflag:$0x2] =	stream.indirect_vreg.gather [hbm4b:s4+s3], $0x80, v4, vm1, $0xb8;
	[tilespmem:$0xC200] =	vst v63  }
0xf6: {  	_ = 	snop  }
0xf7: {  	[tilespmem:s12], [sflag:$0x2] =	stream.indirect_vreg.gather [hbm4b:s2+s3], $0x80, v3, vm0, $0xb8;
	[tilespmem:$0xC200] =	vst v63  }
0xf8: {  	_ = 	snop  }
0xf9: {  	[tilespmem:s13], [sflag:$0x2] =	stream.indirect_vreg.gather [hbm4b:s4+s3], $0x80, v3, vm1, $0xb8;
	[tilespmem:$0xC200] =	vst v63  }
0xfa: {  	v3 =	vld [tilespmem:$0xC090];
	_ =	sdelay $0x4  }
0xfb: {  	v59 =	vshrl.u32 v3, $0x3  }
0xfc: {  	v4 =	vmul.u32 $0x18, v59  }
0xfd: {  	v3 =	vand.u32 $0x7, v3  }
0xfe: {  	v3 =	vor.u32 v3, v4  }
0xff: {  	v4 =	vperm.xlane v3, v0;
	_ =	sdelay $0x1  }
0x100: {  	v4 =	vadd.s32 v1, v4;
	_ =	sdelay $0x1  }
0x101: {  	v3 =	vperm.xlane v3, v2;
	_ =	sdelay $0x1  }
0x102: {  	v3 =	vadd.s32 v1, v3  }
0x103: {  	[tilespmem:s14], [sflag:$0x2] =	stream.indirect_vreg.gather [hbm4b:s2+s3], $0x80, v4, vm0, $0xb8;
	[tilespmem:$0xC200] =	vst v63  }
0x104: {  	_ = 	snop  }
0x105: {  	[tilespmem:s15], [sflag:$0x2] =	stream.indirect_vreg.gather [hbm4b:s4+s3], $0x80, v4, vm1, $0xb8;
	[tilespmem:$0xC200] =	vst v63  }
0x106: {  	_ = 	snop  }
0x107: {  	[tilespmem:s16], [sflag:$0x2] =	stream.indirect_vreg.gather [hbm4b:s2+s3], $0x80, v3, vm0, $0xb8;
	[tilespmem:$0xC200] =	vst v63  }
0x108: {  	s6 =	simm.s32 $0x3  }
0x109: {  	[tilespmem:s8], [sflag:$0x2] =	stream.indirect_vreg.gather [hbm4b:s4+s3], $0x80, v3, vm1, $0xb8;
	[tilespmem:$0xC200] =	vst v63  }
0x10a: {  	_ =	swait.ge [sflag:s6], $0x3000  }
0x10b: {  	[sflag:s6] =	ssyncset.done $0x0  }
0x10c: {  	s8 =	rddreg [dreg:$0xb];
	[sflag:s6] =	ssyncadd.s32 $0xFFFFD000  }
0x10d: {  	[hbm4b:s8+s3] =	stream.linear.scatter [tilespmem:s18], [sflag:$0x7], $0x3000, $0x38;
	[tilespmem:$0xC200] =	vst v63  }
0x10e: {  	_ =	swait.ge [sflag:s21], $0x3000  }
0x10f: {  	[sflag:s21] =	ssyncset.done $0x0  }
0x110: {  	s8 =	simm.s32 $0xC100;
	s26 =	rddreg [dreg:$0xc];
	[sflag:s21] =	ssyncadd.s32 $0xFFFFD000  }
0x111: {  	[tilespmem:s8], [sflag:$0x9] =	stream.linear.gather [hbm4b:s26+s3], $0x20, $0x38;
	[tilespmem:$0xC200] =	vst v63  }
0x112: {  	_ =	swait.ge [sflag:s7], $0x20  }
0x113: {  	[sflag:s7] =	ssyncset.done $0x0  }
0x114: {  	[sflag:s7] =	ssyncadd.s32 $0xFFFFFFE0  }
0x115: {  	v3 =	vld [tilespmem:$0xC100];
	_ =	sdelay $0x4  }
0x116: {  	v60 =	vshrl.u32 v3, $0x3  }
0x117: {  	v4 =	vmul.u32 $0x18, v60  }
0x118: {  	v3 =	vand.u32 $0x7, v3  }
0x119: {  	v3 =	vor.u32 v3, v4  }
0x11a: {  	v4 =	vperm.xlane v3, v0;
	_ =	sdelay $0x1  }
0x11b: {  	v4 =	vadd.s32 v1, v4;
	_ =	sdelay $0x1  }
0x11c: {  	v3 =	vperm.xlane v3, v2;
	_ =	sdelay $0x1  }
0x11d: {  	v3 =	vadd.s32 v1, v3  }
0x11e: {  	[tilespmem:s18], [sflag:$0x3] =	stream.indirect_vreg.gather [hbm4b:s2+s3], $0x80, v4, vm0, $0xb8;
	[tilespmem:$0xC200] =	vst v63  }
0x11f: {  	s26 =	simm.s32 $0x6800  }
0x120: {  	[tilespmem:s26], [sflag:$0x3] =	stream.indirect_vreg.gather [hbm4b:s4+s3], $0x80, v4, vm1, $0xb8;
	[tilespmem:$0xC200] =	vst v63  }
0x121: {  	s26 =	simm.s32 $0x6C00  }
0x122: {  	[tilespmem:s26], [sflag:$0x3] =	stream.indirect_vreg.gather [hbm4b:s2+s3], $0x80, v3, vm0, $0xb8;
	[tilespmem:$0xC200] =	vst v63  }
0x123: {  	s26 =	simm.s32 $0x7400  }
0x124: {  	[tilespmem:s26], [sflag:$0x3] =	stream.indirect_vreg.gather [hbm4b:s4+s3], $0x80, v3, vm1, $0xb8;
	[tilespmem:$0xC200] =	vst v63  }
0x125: {  	v3 =	vld [tilespmem:$0xC110];
	_ =	sdelay $0x4  }
0x126: {  	v61 =	vshrl.u32 v3, $0x3  }
0x127: {  	v4 =	vmul.u32 $0x18, v61  }
0x128: {  	v3 =	vand.u32 $0x7, v3  }
0x129: {  	v3 =	vor.u32 v3, v4  }
0x12a: {  	v4 =	vperm.xlane v3, v0;
	_ =	sdelay $0x1  }
0x12b: {  	v4 =	vadd.s32 v1, v4;
	_ =	sdelay $0x1  }
0x12c: {  	v3 =	vperm.xlane v3, v2;
	_ =	sdelay $0x1  }
0x12d: {  	s26 =	simm.s32 $0x7800;
	v3 =	vadd.s32 v1, v3  }
0x12e: {  	[tilespmem:s26], [sflag:$0x3] =	stream.indirect_vreg.gather [hbm4b:s2+s3], $0x80, v4, vm0, $0xb8;
	[tilespmem:$0xC200] =	vst v63  }
0x12f: {  	s26 =	simm.s32 $0x8000  }
0x130: {  	[tilespmem:s26], [sflag:$0x3] =	stream.indirect_vreg.gather [hbm4b:s4+s3], $0x80, v4, vm1, $0xb8;
	[tilespmem:$0xC200] =	vst v63  }
0x131: {  	s26 =	simm.s32 $0x8400  }
0x132: {  	[tilespmem:s26], [sflag:$0x3] =	stream.indirect_vreg.gather [hbm4b:s2+s3], $0x80, v3, vm0, $0xb8;
	[tilespmem:$0xC200] =	vst v63  }
0x133: {  	_ = 	snop  }
0x134: {  	[tilespmem:s17], [sflag:$0x3] =	stream.indirect_vreg.gather [hbm4b:s4+s3], $0x80, v3, vm1, $0xb8;
	[tilespmem:$0xC200] =	vst v63  }
0x135: {  	_ =	swait.ge [sflag:s23], $0x3000  }
0x136: {  	[sflag:s23] =	ssyncset.done $0x0  }
0x137: {  	s17 =	rddreg [dreg:$0xd];
	[sflag:s23] =	ssyncadd.s32 $0xFFFFD000  }
0x138: {  	[hbm4b:s17+s3] =	stream.linear.scatter [tilespmem:s22], [sflag:$0x8], $0x3000, $0x38;
	[tilespmem:$0xC200] =	vst v63  }
0x139: {  	_ =	swait.ge [sflag:s24], $0x3000  }
0x13a: {  	[sflag:s24] =	ssyncset.done $0x0  }
0x13b: {  	s17 =	simm.s32 $0xC180;
	s8 =	rddreg [dreg:$0xe];
	[sflag:s24] =	ssyncadd.s32 $0xFFFFD000  }
0x13c: {  	[tilespmem:s17], [sflag:$0x9] =	stream.linear.gather [hbm4b:s8+s3], $0x20, $0x38;
	[tilespmem:$0xC200] =	vst v63  }
0x13d: {  	_ =	swait.ge [sflag:s7], $0x20  }
0x13e: {  	[sflag:s7] =	ssyncset.done $0x0  }
0x13f: {  	[sflag:s7] =	ssyncadd.s32 $0xFFFFFFE0  }
0x140: {  	v3 =	vld [tilespmem:$0xC180];
	_ =	sdelay $0x4  }
0x141: {  	v62 =	vshrl.u32 v3, $0x3  }
0x142: {  	v4 =	vmul.u32 $0x18, v62  }
0x143: {  	v3 =	vand.u32 $0x7, v3  }
0x144: {  	v3 =	vor.u32 v3, v4  }
0x145: {  	v4 =	vperm.xlane v3, v0;
	_ =	sdelay $0x1  }
0x146: {  	v4 =	vadd.s32 v1, v4;
	_ =	sdelay $0x1  }
0x147: {  	v3 =	vperm.xlane v3, v2;
	_ =	sdelay $0x1  }
0x148: {  	v3 =	vadd.s32 v1, v3  }
0x149: {  	[tilespmem:s22], [sflag:$0x4] =	stream.indirect_vreg.gather [hbm4b:s2+s3], $0x80, v4, vm0, $0xb8;
	[tilespmem:$0xC200] =	vst v63  }
0x14a: {  	s26 =	simm.s32 $0x9800  }
0x14b: {  	[tilespmem:s26], [sflag:$0x4] =	stream.indirect_vreg.gather [hbm4b:s4+s3], $0x80, v4, vm1, $0xb8;
	[tilespmem:$0xC200] =	vst v63  }
0x14c: {  	s17 =	simm.s32 $0x9C00  }
0x14d: {  	[tilespmem:s17], [sflag:$0x4] =	stream.indirect_vreg.gather [hbm4b:s2+s3], $0x80, v3, vm0, $0xb8;
	[tilespmem:$0xC200] =	vst v63  }
0x14e: {  	s26 =	simm.s32 $0xA400  }
0x14f: {  	[tilespmem:s26], [sflag:$0x4] =	stream.indirect_vreg.gather [hbm4b:s4+s3], $0x80, v3, vm1, $0xb8;
	[tilespmem:$0xC200] =	vst v63  }
0x150: {  	v3 =	vld [tilespmem:$0xC190];
	_ =	sdelay $0x4  }
0x151: {  	v63 =	vshrl.u32 v3, $0x3  }
0x152: {  	v4 =	vmul.u32 $0x18, v63  }
0x153: {  	v3 =	vand.u32 $0x7, v3  }
0x154: {  	v3 =	vor.u32 v3, v4  }
0x155: {  	v4 =	vperm.xlane v3, v0;
	_ =	sdelay $0x1  }
0x156: {  	v4 =	vadd.s32 v1, v4;
	_ =	sdelay $0x1  }
0x157: {  	v3 =	vperm.xlane v3, v2;
	_ =	sdelay $0x1  }
0x158: {  	s17 =	simm.s32 $0xA800;
	v3 =	vadd.s32 v1, v3  }
0x159: {  	[tilespmem:s17], [sflag:$0x4] =	stream.indirect_vreg.gather [hbm4b:s2+s3], $0x80, v4, vm0, $0xb8;
	[tilespmem:$0xC200] =	vst v63  }
0x15a: {  	s26 =	simm.s32 $0xB000  }
0x15b: {  	[tilespmem:s26], [sflag:$0x4] =	stream.indirect_vreg.gather [hbm4b:s4+s3], $0x80, v4, vm1, $0xb8;
	[tilespmem:$0xC200] =	vst v63  }
0x15c: {  	s17 =	simm.s32 $0xB400  }
0x15d: {  	[tilespmem:s17], [sflag:$0x4] =	stream.indirect_vreg.gather [hbm4b:s2+s3], $0x80, v3, vm0, $0xb8;
	[tilespmem:$0xC200] =	vst v63  }
0x15e: {  	s26 =	simm.s32 $0xBC00  }
0x15f: {  	[tilespmem:s26], [sflag:$0x4] =	stream.indirect_vreg.gather [hbm4b:s4+s3], $0x80, v3, vm1, $0xb8;
	[tilespmem:$0xC200] =	vst v63  }
0x160: {  	_ =	swait.ge [sflag:s19], $0x3000  }
0x161: {  	[sflag:s19] =	ssyncset.done $0x0  }
0x162: {  	s17 =	rddreg [dreg:$0xf];
	[sflag:s19] =	ssyncadd.s32 $0xFFFFD000  }
0x163: {  	[hbm4b:s17+s3] =	stream.linear.scatter [tilespmem:s3], [sflag:$0x5], $0x3000, $0x38;
	[tilespmem:$0xC200] =	vst v63  }
0x164: {  	_ =	swait.ge [sflag:s0], $0x3000  }
0x165: {  	[sflag:s0] =	ssyncset.done $0x0  }
0x166: {  	s8 =	rddreg [dreg:$0x10];
	[sflag:s0] =	ssyncadd.s32 $0xFFFFD000  }
0x167: {  	[hbm4b:s8+s3] =	stream.linear.scatter [tilespmem:s25], [sflag:$0x6], $0x3000, $0x38;
	[tilespmem:$0xC200] =	vst v63  }
0x168: {  	_ =	swait.ge [sflag:s6], $0x3000  }
0x169: {  	[sflag:s6] =	ssyncset.done $0x0  }
0x16a: {  	s17 =	rddreg [dreg:$0x11];
	[sflag:s6] =	ssyncadd.s32 $0xFFFFD000  }
0x16b: {  	[hbm4b:s17+s3] =	stream.linear.scatter [tilespmem:s18], [sflag:$0x7], $0x3000, $0x38;
	[tilespmem:$0xC200] =	vst v63  }
0x16c: {  	_ =	swait.ge [sflag:s23], $0x3000  }
0x16d: {  	[sflag:s23] =	ssyncset.done $0x0  }
0x16e: {  	s19 =	rddreg [dreg:$0x12];
	[sflag:s23] =	ssyncadd.s32 $0xFFFFD000  }
0x16f: {  	[hbm4b:s19+s3] =	stream.linear.scatter [tilespmem:s22], [sflag:$0x8], $0x3000, $0x38;
	[tilespmem:$0xC200] =	vst v63  }
0x170: {  	_ =	swait.ge [sflag:s20], $0x3000  }
0x171: {  	[sflag:s20] =	ssyncset.done $0x0  }
0x172: {  	[sflag:s20] =	ssyncadd.s32 $0xFFFFD000  }
0x173: {  	_ =	swait.ge [sflag:s1], $0x3000  }
0x174: {  	[sflag:s1] =	ssyncset.done $0x0  }
0x175: {  	[sflag:s1] =	ssyncadd.s32 $0xFFFFD000  }
0x176: {  	p0 =	sne.s32 s5, $0x1;
	_ =	swait.ge [sflag:s21], $0x3000  }
.Ltmp0:
0x177: {  	[sflag:s21] =	ssyncset.done $0x0;
	(pc) =	sbr.rel @p0 .LBB2_1-.Ltmp0, $4  }
0x178: {  	[sflag:s21] =	ssyncadd.s32 $0xFFFFD000  }
0x179: {  	_ =	swait.ge [sflag:s24], $0x3000  }
0x17a: {  	[sflag:s24] =	ssyncset.done $0x0  }
0x17b: {  	s5 =	sadd.s32 $0xFFFFFFFF, s5;
	[sflag:s24] =	ssyncadd.s32 $0xFFFFD000  }
0x17c: {  	_ =	sfence.sel $0x180000  }
0x17d: {  	[bflag:$0x0] =	sbarrier.arrive $0xFFFF  }
0x17e: {  	_ =	strace $0x9000004A  }
0x17f: {  	s0 =	stileid.u32;
	[bflag:$0x2] =	sbarrier.arrive $0xFFFF  }
0x180: {  	p0 =	sne.s32 s0, $0x0;
	s0 =	rddreg [dreg:$0x2]  }
0x181: {  	s0 =	sadd.s32 @!p0 $0x100000, s0  }
0x182: {  	[sflag:s0] =	ssyncadd.tile.s32 @!p0 $0x1;
	_ =	shalt  }
.Lfunc_end2:
_tile_overlayer_lowered:
.L_overlay_start_2:
0x183: {  	(tag) =	ssettag $0x2  }
0x184: {  	s0 =	rddreg [dreg:$0x0];
	s2 =	stileid.u32  }
0x185: {  	s1 =	rddreg [dreg:$0x1];
	p0 =	sne.s32 s2, $0x0  }
0x186: {  	s3 =	rddreg [dreg:$0x2];
	[bflag:$0x3] =	sbarrier.arrive $0xFFFF;
	s2 =	simm.s32 @!p0 $0x1C09  }
0x187: {  	[timem:s3], [sflag:s2] =	dma.local @!p0 [hbm:s0], s1  }
0x188: {  	s0 =	simm.s32 @!p0 $0x9  }
0x189: {  	_ =	swait.ge @!p0 [sflag:s0], s1  }
0x18a: {  	s1 =	ssub.s32 @!p0 $0x0, s1;
	[sflag:s0] =	ssyncset.done @!p0 $0x0  }
0x18b: {  	[sflag:s0] =	ssyncadd.s32 @!p0 s1  }
0x18c: {  	[bflag:$0x3] =	sbarrier.arrive $0xFFFF  }
0x18d: {  	_ =	shalt  }

// kernel: kernel.7.cloned.1.call-start
scs
__scs_entry_jumppad:
0x0: {  	(pc) =	sbr.rel $0x88, $3  }
0x1: {  	(tag) =	ssettag $0x0;
	lr =	simm.s32 $0x1  }
0x2: {  	[smem:$0x3F9A] =	sst lr;
	_ =	strace $0xD0000000  }
0x3: {  	_ = 	snop  }
0x4: {  	_ = 	snop  }
0x5: {  	_ = 	snop  }
0x6: {  	_ = 	snop  }
0x7: {  	_ = 	snop  }
__scs_overlays_trampoline_lowered:
0x8: {  	[smem:$0x3FA9] =	sst s0  }
0x9: {  	[smem:$0x3FAA] =	sst s1  }
0xa: {  	[smem:$0x3FAB] =	sst s2  }
0xb: {  	[smem:$0x3FAC] =	sst s3  }
0xc: {  	[smem:$0x3FAD] =	sst s4  }
0xd: {  	[smem:$0x3FAE] =	sst s5  }
0xe: {  	[smem:$0x3FAF] =	sst s6  }
0xf: {  	[smem:$0x3FB0] =	sst s7  }
0x10: {  	[smem:$0x3FB1] =	sst s8  }
0x11: {  	[smem:$0x3FB2] =	sst s9;
	s0 =	simm.s32 @!p0 $0x0  }
0x12: {  	s1 =	sld [smem:$0x3F98];
	s0 =	simm.s32 @p0 $0x1  }
0x13: {  	[smem:$0x3FB3] =	sst s0;
	s0 =	simm.s32 @!p1 $0x0  }
0x14: {  	s2 =	sld [smem:$0x3F97];
	s0 =	simm.s32 @p1 $0x1  }
0x15: {  	[smem:$0x3FB4] =	sst s0;
	s0 =	simm.s32 @!p2 $0x0  }
0x16: {  	s3 =	sld [smem:$0x3FDB];
	s0 =	simm.s32 @p2 $0x1  }
0x17: {  	s4 =	simm.s32 $0x1BF5;
	[smem:$0x3FB6] =	sst s0  }
0x18: {  	s0 =	sld [smem:$0x3F99];
	_ =	swait.ge [sflag:s4], $0x0  }
0x19: {  	s7 =	sld [smem:$0x3F9A]  }
0x1a: {  	s8 =	sadd.s32 $0xFFFFE003, lr  }
0x1b: {  	s9 =	sadd.s32 $0xFFFFFEF7, lr;
	s5 =	simm.s32 $0xFFFFFFFF;
	p2 =	slt.u32 s8, $0xFFFFF086  }
0x1c: {  	p1 =	slt.u32 s9, $0xF7A;
	s5 =	simm.s32 @!p2 $0x0  }
0x1d: {  	s5 =	simm.s32 @p1 $0x1;
	p0 =	seq.s32 s7, s2  }
0x1e: {  	s7 =	smul.u32 @!p0 $0xF7A, s2;
	p2 =	seq.s32 @!p0 s5, $0x0  }
0x1f: {  	s9 =	smul.u32 $0xF7A, s1;
	s8 =	simm.s32 @!p0 $0x1BF5;
	p2 =	por !p2, p0  }
0x20: {  	[sflag:s8] =	ssyncset.s32 @!p0 $0xFFFFF086;
	s6 =	sadd.s32 @!p0 s3, s7;
	s7 =	simm.s32 @!p0 $0x108  }
0x21: {  	s3 =	sadd.s32 s3, s9;
	s6 =	sadd.s32 @!p0 $0x88, s6;
	s7 =	simm.s32 @p2 $0x1082  }
0x22: {  	[simem:s7], [sflag:s8] =	dma.local @!p0 [hbm:s6], $0xF7A  }
0x23: {  	s9 =	sor.u32 $0xD0000000, s2;
	s6 =	simm.s32 $0x108;
	_ =	swait.ge @!p0 [sflag:s8], $0x0  }
0x24: {  	s3 =	sadd.s32 $0x88, s3;
	s6 =	simm.s32 @!p1 $0x1082;
	[sflag:s4] =	ssyncset.s32 $0xFFFFF086  }
0x25: {  	[simem:s6], [sflag:s4] =	dma.local [hbm:s3], $0xF7A  }
0x26: {  	[smem:$0x3F9A] =	sst s1;
	(tag) =	ssettag s2;
	_ =	strace s9  }
0x27: {  	s1 =	sld [smem:$0x3FAA]  }
0x28: {  	s2 =	sld [smem:$0x3FAB]  }
0x29: {  	s4 =	sld [smem:$0x3FAD]  }
0x2a: {  	p0 =	seq.s32 s5, $0x0;
	s5 =	sld [smem:$0x3FAE]  }
0x2b: {  	s6 =	sld [smem:$0x3FAF]  }
0x2c: {  	s7 =	sld [smem:$0x3FB0]  }
0x2d: {  	s3 =	simm.s32 $0x108;
	s8 =	sld [smem:$0x3FB1]  }
0x2e: {  	s3 =	simm.s32 @!p0 $0x1082;
	s9 =	sld [smem:$0x3FB2]  }
0x2f: {  	lr =	sadd.s32 s0, s3;
	s0 =	sld [smem:$0x3FA9]  }
0x30: {  	s3 =	sld [smem:$0x3FAC]  }
0x31: {  	[smem:$0x3FB5] =	sst s10  }
0x32: {  	s10 =	sld [smem:$0x3FB3];
	_ =	sdelay $0x3  }
0x33: {  	p0 =	seq.s32 s10, $0x1;
	s10 =	sld [smem:$0x3FB5];
	_ =	sdelay $0x3  }
0x34: {  	[smem:$0x3FB5] =	sst s10  }
0x35: {  	s10 =	sld [smem:$0x3FB4];
	_ =	sdelay $0x3  }
0x36: {  	p1 =	seq.s32 s10, $0x1;
	s10 =	sld [smem:$0x3FB5];
	_ =	sdelay $0x3  }
0x37: {  	[smem:$0x3FB5] =	sst s10  }
0x38: {  	s10 =	sld [smem:$0x3FB6]  }
0x39: {  	_ = 	snop;
	(pc) =	sbr.ind lr, $3  }
0x3a: {  	_ = 	snop  }
0x3b: {  	_ = 	snop  }
0x3c: {  	p2 =	seq.s32 s10, $0x1;
	s10 =	sld [smem:$0x3FB5]  }
0x3d: {  	_ =	shalt  }
0x3e: {  	_ =	shalt  }
0x3f: {  	_ =	shalt  }
0x40: {  	_ =	shalt  }
0x41: {  	_ =	shalt  }
0x42: {  	_ =	shalt  }
0x43: {  	_ =	shalt  }
0x44: {  	_ =	shalt  }
0x45: {  	_ =	shalt  }
0x46: {  	_ =	shalt  }
0x47: {  	_ =	shalt  }
0x48: {  	_ =	shalt  }
0x49: {  	_ =	shalt  }
0x4a: {  	_ =	shalt  }
0x4b: {  	_ =	shalt  }
0x4c: {  	_ =	shalt  }
0x4d: {  	_ =	shalt  }
0x4e: {  	_ =	shalt  }
0x4f: {  	_ =	shalt  }
0x50: {  	_ =	shalt  }
0x51: {  	_ =	shalt  }
0x52: {  	_ =	shalt  }
0x53: {  	_ =	shalt  }
0x54: {  	_ =	shalt  }
0x55: {  	_ =	shalt  }
0x56: {  	_ =	shalt  }
0x57: {  	_ =	shalt  }
0x58: {  	_ =	shalt  }
0x59: {  	_ =	shalt  }
0x5a: {  	_ =	shalt  }
0x5b: {  	_ =	shalt  }
0x5c: {  	_ =	shalt  }
0x5d: {  	_ =	shalt  }
0x5e: {  	_ =	shalt  }
0x5f: {  	_ =	shalt  }
0x60: {  	_ =	shalt  }
0x61: {  	_ =	shalt  }
0x62: {  	_ =	shalt  }
0x63: {  	_ =	shalt  }
0x64: {  	_ =	shalt  }
0x65: {  	_ =	shalt  }
0x66: {  	_ =	shalt  }
0x67: {  	_ =	shalt  }
0x68: {  	_ =	shalt  }
0x69: {  	_ =	shalt  }
0x6a: {  	_ =	shalt  }
0x6b: {  	_ =	shalt  }
0x6c: {  	_ =	shalt  }
0x6d: {  	_ =	shalt  }
0x6e: {  	_ =	shalt  }
0x6f: {  	_ =	shalt  }
0x70: {  	_ =	shalt  }
0x71: {  	_ =	shalt  }
0x72: {  	_ =	shalt  }
0x73: {  	_ =	shalt  }
0x74: {  	_ =	shalt  }
0x75: {  	_ =	shalt  }
0x76: {  	_ =	shalt  }
0x77: {  	_ =	shalt  }
0x78: {  	_ =	shalt  }
0x79: {  	_ =	shalt  }
0x7a: {  	_ =	shalt  }
0x7b: {  	_ =	shalt  }
0x7c: {  	_ =	shalt  }
0x7d: {  	_ =	shalt  }
0x7e: {  	_ =	shalt  }
0x7f: {  	_ =	shalt  }
0x80: {  	_ =	shalt  }
0x81: {  	_ =	shalt  }
0x82: {  	_ =	shalt  }
0x83: {  	_ =	shalt  }
0x84: {  	_ =	shalt  }
0x85: {  	_ =	shalt  }
0x86: {  	_ =	shalt  }
0x87: {  	_ =	shalt  }
.Lfunc_end0:
.L_simem_size_0:
called_computation_lowered:
.L_overlay_start_0:
0x88: {  	s2 =	sld [smem:$0x3FD9]  }
0x89: {  	s3 =	sld [smem:$0x3FFE];
	_ =	sdelay $0x1  }
0x8a: {  	s1 =	srdreg.scid  }
0x8b: {  	s0 =	sand.u32 $0x1, s1  }
0x8c: {  	s17 =	sshll.u32 s0, $0xA;
	s2 =	sadd.s32 s3, s2  }
0x8d: {  	s2 =	sadd.s32 s2, s17  }
0x8e: {  	[smem:$0x3FC1] =	sst s2  }
0x8f: {  	_ = 	snop  }
0x90: {  	s2 =	sld [smem:$0x3FD0];
	(tm) =	ssettm $0x1  }
0x91: {  	s18 =	sld [smem:$0x3FFB];
	_ =	sdelay $0x3  }
0x92: {  	_ =	strace s18  }
0x93: {  	s3 =	sld [smem:$0x3FFC];
	_ =	sdelay $0x3  }
0x94: {  	_ =	strace s3  }
0x95: {  	s3 =	sld [smem:$0x3FFD];
	_ =	sdelay $0x3  }
0x96: {  	_ =	strace s3  }
0x97: {  	_ =	strace $0x8FFFFFFF  }
0x98: {  	s19 =	sld [smem:$0x3FDB];
	_ =	sdelay $0x1  }
0x99: {  	s4 =	simm.s32 $_scs_section_size  }
0x9a: {  	s5 =	simm.s32 $_size__tile_overlayer_lowered;
	s6 =	simm.s32 $_tile_overlayer_lowered  }
0x9b: {  	s22 =	simm.s32 $0x1BFF;
	s21 =	sshll.u32 s6, $0x1;
	s3 =	sadd.s32 s4, s19  }
0x9c: {  	s7 =	simm.s32 $0x0;
	s20 =	sshll.u32 s5, $0x1;
	s5 =	sadd.s32 s21, s3  }
0x9d: {  	[timem:s7], [sflag:s22] =	dma.local [hbm:s5], s20  }
0x9e: {  	_ =	swait.ge [sflag:s22], s20  }
0x9f: {  	s4 =	ssub.s32 $0x0, s20;
	[sflag:s22] =	ssyncset.done $0x0  }
0xa0: {  	[sflag:s22] =	ssyncadd.s32 s4;
	_ =	sdelay $0x1  }
0xa1: {  	s23 =	simm.s32 $0x1B8B  }
0xa2: {  	_ =	swait.ge [sflag:s23], $0x1  }
0xa3: {  	[sflag:s23] =	ssyncset.done $0x0  }
0xa4: {  	s25 =	simm.s32 $0x1B8E;
	s24 =	sld [smem:$0x3FFE];
	[sflag:s23] =	ssyncadd.s32 $0xFFFFFFFF  }
0xa5: {  	s26 =	simm.s32 $execute0_lowered;
	[smem:$0x3FD2] =	sst s25  }
0xa6: {  	s5 =	sshll.u32 s26, $0x1;
	_ =	strace $0x80000046;
	[dreg:$0x1] =	wrdreg $0xFFFFFFFF  }
0xa7: {  	s28 =	simm.s32 $_size_execute0_lowered;
	s3 =	sadd.s32 s3, s5;
	[dreg:$0x0] =	wrdreg $0x0  }
0xa8: {  	s5 =	sshll.u32 s28, $0x1;
	[dreg:$0x2] =	wrdreg s3  }
0xa9: {  	[dreg:$0x3] =	wrdreg s5  }
0xaa: {  	[dreg:$0x4] =	wrdreg $0xC0  }
0xab: {  	_ =	task [dreg:s7], $0x5FFFF  }
0xac: {  	[dreg:$0x1] =	wrdreg $0xFFFFFFFF  }
0xad: {  	[dreg:$0x0] =	wrdreg $0x60  }
0xae: {  	[dreg:$0x2] =	wrdreg s24  }
0xaf: {  	[dreg:$0x3] =	wrdreg s2  }
0xb0: {  	[dreg:$0x4] =	wrdreg $0x9  }
0xb1: {  	_ =	task.clear_ibuf [dreg:s7], $0x5FFFF;
	_ =	strace $0x90000046  }
0xb2: {  	s29 =	simm.s32 $0x9;
	_ =	strace $0x80000048  }
0xb3: {  	_ =	swait.ge [sflag:s29], $0x1  }
0xb4: {  	[sflag:s29] =	ssyncadd.s32 $0xFFFFFFFF  }
0xb5: {  	_ =	strace $0x90000048  }
0xb6: {  	_ =	sfence  }
0xb7: {  	s30 =	sld [smem:$0x0];
	_ =	sdelay $0x2  }
0xb8: {  	s31 =	sshll.u32 s1, $0xD;
	s1 =	sshrl.u32 s1, $0x2  }
0xb9: {  	s3 =	sand.u32 $0x4000, s31;
	s1 =	sadd.s32 s1, s30  }
0xba: {  	s0 =	sor.u32 s3, s0;
	s1 =	sshll.u32 s1, $0x11  }
0xbb: {  	s0 =	sor.u32 s1, s0  }
0xbc: {  	s0 =	sadd.s32 $0x8F2B, s0  }
0xbd: {  	[sflag:s0] =	ssyncadd.remote.s32 $0x1  }
0xbe: {  	_ =	sfence.sel $0xFFFF  }
0xbf: {  	[dreg:$0x0] =	wrdreg $0xFFFFFFFF;
	(pc) =	sbr.abs _section_cstart, $3  }
0xc0: {  	[dreg:$0x1] =	wrdreg $0xFFFFFFFF  }
0xc1: {  	_ =	task.clear_ibuf [dreg:s7], $0x2FFFF;
	_ =	strace $0x9FFFFFFF  }
0xc2: {  	(tm) =	ssettm $0x7FFFFFFF  }
0xc3: {  	_ =	shalt  }
tec
execute0_lowered:
.L_overlay_start_1:
0x0: {  	(tag) =	ssettag $0x1  }
0x1: {  	s0 =	rddreg [dreg:$0x0]  }
0x2: {  	s2 =	rddreg [dreg:$0x1]  }
0x3: {  	s1 =	srdreg.scid;
	s4 =	stileid.u32  }
0x4: {  	s3 =	simm.s32 $0x0;
	s30 =	simm.s32 $0xA400;
	s28 =	simm.s32 $0xB400  }
0x5: {  	s29 =	simm.s32 $0xBC00;
	s1 =	sand.u32 $0x1, s1;
	[smem:$0x7FF] =	sst s3  }
0x6: {  	s4 =	sshll.u32 s4, $0x6;
	s5 =	sshll.u32 s1, $0x5;
	_ =	strace $0x80000047  }
0x7: {  	s1 =	ssub.s32 $0x2, s1;
	s4 =	sor.u32 s5, s4;
	s5 =	sadd.s32 $0x61A00, s0  }
0x8: {  	s0 =	sadd.s32 $0x1A00, s0;
	s6 =	smul.u32 $0x180, s4;
	s7 =	sadd.s32 s5, s4  }
0x9: {  	s8 =	sor.u32 $0x4, s4;
	s25 =	sor.u32 $0x8, s4;
	s9 =	sor.u32 $0xC, s4  }
0xa: {  	s13 =	sor.u32 $0x10, s4;
	s17 =	sor.u32 $0x14, s4;
	s23 =	smul.u32 $0x180, s8  }
0xb: {  	s21 =	sor.u32 $0x18, s4;
	s4 =	sor.u32 $0x1C, s4;
	s31 =	smul.u32 $0x180, s25  }
0xc: {  	[dreg:$0x3] =	wrdreg s7;
	s24 =	sadd.s32 s5, s8;
	s11 =	smul.u32 $0x180, s9  }
0xd: {  	s8 =	sadd.s32 s5, s25;
	s12 =	sadd.s32 s5, s9;
	s15 =	smul.u32 $0x180, s13  }
0xe: {  	s16 =	sadd.s32 s5, s13;
	s19 =	smul.u32 $0x180, s17;
	[dreg:$0x5] =	wrdreg s24  }
0xf: {  	s20 =	sadd.s32 s5, s17;
	s7 =	simm.s32 $0x9;
	[dreg:$0x7] =	wrdreg s8  }
0x10: {  	s13 =	simm.s32 $0x6000;
	s17 =	simm.s32 $0x6C00;
	[dreg:$0x9] =	wrdreg s12  }
0x11: {  	s9 =	simm.s32 $0x9C00;
	s6 =	sadd.s32 s0, s6;
	[dreg:$0xb] =	wrdreg s16  }
0x12: {  	[dreg:$0xd] =	wrdreg s20;
	s24 =	sadd.s32 s5, s21;
	s20 =	simm.s32 $0x7400  }
0x13: {  	[dreg:$0x4] =	wrdreg s6;
	s26 =	sadd.s32 s0, s23;
	s10 =	sadd.s32 s0, s31  }
0x14: {  	s14 =	sadd.s32 s0, s11;
	s18 =	sadd.s32 s0, s15;
	[dreg:$0xf] =	wrdreg s24  }
0x15: {  	s22 =	sadd.s32 s0, s19;
	s23 =	smul.u32 $0x180, s21;
	[dreg:$0x6] =	wrdreg s26  }
0x16: {  	s31 =	sshrl.u32 s1, $0x1;
	s11 =	simm.s32 $0x3000;
	[dreg:$0x8] =	wrdreg s10  }
0x17: {  	s21 =	simm.s32 $0x7800;
	s24 =	simm.s32 $0x8000;
	[dreg:$0xa] =	wrdreg s14  }
0x18: {  	s19 =	simm.s32 $0x8C00;
	s15 =	simm.s32 $0xA800;
	[dreg:$0xc] =	wrdreg s18  }
0x19: {  	[dreg:$0xe] =	wrdreg s22;
	s26 =	smul.u32 $0x180, s4;
	s4 =	sadd.s32 s5, s4  }
0x1a: {  	s1 =	ssub.s32 s1, s31;
	s22 =	simm.s32 $0x1;
	s18 =	simm.s32 $0x6  }
0x1b: {  	s14 =	simm.s32 $0x9000;
	s5 =	simm.s32 $0x8;
	s25 =	sadd.s32 s0, s23  }
0x1c: {  	v2 =	vlaneseq.u32;
	[dreg:$0x11] =	wrdreg s4;
	s4 =	sadd.s32 $0x100, s2;
	s16 =	smax.u32 s1, $0x1  }
0x1d: {  	vm0 =	vmmov $0xffff;
	vm1 =	vmmov $0xff;
	v1 =	vshrl.u32 v2, $0x3;
	s23 =	simm.s32 $0x5;
	[dreg:$0x10] =	wrdreg s25;
	s0 =	sadd.s32 s0, s26  }
0x1e: {  	v0 =	vand.u32 $0x7, v2;
	v2 =	vor.u32 $0x8, v2;
	v1 =	vmul.u32 $0x8, v1;
	s25 =	simm.s32 $0x8400;
	s26 =	simm.s32 $0xB000;
	[dreg:$0x12] =	wrdreg s0  }
.LBB2_1:
0x1f: {  	s31 =	rddreg [dreg:$0x3];
	s8 =	simm.s32 $0xC000  }
0x20: {  	[tilespmem:s8], [sflag:$0x9] =	stream.linear.gather [hbm4b:s31+s3], $0x20, $0x38;
	[tilespmem:$0xC200] =	vst v63  }
0x21: {  	_ =	swait.ge [sflag:s7], $0x20  }
0x22: {  	[sflag:s7] =	ssyncset.done $0x0  }
0x23: {  	s12 =	rddreg [dreg:$0x4];
	[sflag:s7] =	ssyncadd.s32 $0xFFFFFFE0  }
0x24: {  	[tilespmem:s3], [sflag:$0x1] =	stream.linear.gather [hbm4b:s12+s3], $0x3000, $0x38;
	[tilespmem:$0xC200] =	vst v63  }
0x25: {  	s10 =	simm.s32 $0xC080;
	s6 =	rddreg [dreg:$0x5]  }
0x26: {  	[tilespmem:s10], [sflag:$0x9] =	stream.linear.gather [hbm4b:s6+s3], $0x20, $0x38;
	[tilespmem:$0xC200] =	vst v63  }
0x27: {  	_ =	swait.ge [sflag:s7], $0x20  }
0x28: {  	[sflag:s7] =	ssyncset.done $0x0  }
0x29: {  	s0 =	rddreg [dreg:$0x6];
	[sflag:s7] =	ssyncadd.s32 $0xFFFFFFE0  }
0x2a: {  	[tilespmem:s11], [sflag:$0x2] =	stream.linear.gather [hbm4b:s0+s3], $0x3000, $0x38;
	[tilespmem:$0xC200] =	vst v63  }
0x2b: {  	s12 =	simm.s32 $0xC100;
	s1 =	rddreg [dreg:$0x7]  }
0x2c: {  	[tilespmem:s12], [sflag:$0x9] =	stream.linear.gather [hbm4b:s1+s3], $0x20, $0x38;
	[tilespmem:$0xC200] =	vst v63  }
0x2d: {  	_ =	swait.ge [sflag:s7], $0x20  }
0x2e: {  	[sflag:s7] =	ssyncset.done $0x0  }
0x2f: {  	s0 =	rddreg [dreg:$0x8];
	[sflag:s7] =	ssyncadd.s32 $0xFFFFFFE0  }
0x30: {  	[tilespmem:s13], [sflag:$0x3] =	stream.linear.gather [hbm4b:s0+s3], $0x3000, $0x38;
	[tilespmem:$0xC200] =	vst v63  }
0x31: {  	s1 =	rddreg [dreg:$0x9];
	s0 =	simm.s32 $0xC180  }
0x32: {  	[tilespmem:s0], [sflag:$0x9] =	stream.linear.gather [hbm4b:s1+s3], $0x20, $0x38;
	[tilespmem:$0xC200] =	vst v63  }
0x33: {  	_ =	swait.ge [sflag:s7], $0x20  }
0x34: {  	[sflag:s7] =	ssyncset.done $0x0  }
0x35: {  	s1 =	simm.s32 $0x9000;
	s0 =	rddreg [dreg:$0xa];
	[sflag:s7] =	ssyncadd.s32 $0xFFFFFFE0  }
0x36: {  	[tilespmem:s1], [sflag:$0x4] =	stream.linear.gather [hbm4b:s0+s3], $0x3000, $0x38;
	[tilespmem:$0xC200] =	vst v63  }
0x37: {  	_ =	swait.ge [sflag:s22], $0x3000  }
0x38: {  	[sflag:s22] =	ssyncset.done $0x0  }
0x39: {  	[sflag:s22] =	ssyncadd.s32 $0xFFFFD000  }
0x3a: {  	v3 =	vld [tilespmem:$0xC000];
	_ =	sdelay $0x4  }
0x3b: {  	v4 =	vshrl.u32 v3, $0x3  }
0x3c: {  	v4 =	vmul.u32 $0x18, v4  }
0x3d: {  	v3 =	vand.u32 $0x7, v3  }
0x3e: {  	v3 =	vor.u32 v3, v4  }
0x3f: {  	v4 =	vperm.xlane v3, v0;
	_ =	sdelay $0x1  }
0x40: {  	v4 =	vadd.s32 v1, v4;
	_ =	sdelay $0x1  }
0x41: {  	v3 =	vperm.xlane v3, v2;
	_ =	sdelay $0x1  }
0x42: {  	v3 =	vadd.s32 v1, v3  }
0x43: {  	[hbm4b:s2+s3] =	stream.indirect_vreg.scatter [tilespmem:s3], [sflag:$0x5], $0x80, v4, vm0, $0xb8;
	[tilespmem:$0xC200] =	vst v63  }
0x44: {  	s31 =	simm.s32 $0x800  }
0x45: {  	[hbm4b:s4+s3] =	stream.indirect_vreg.scatter [tilespmem:s31], [sflag:$0x5], $0x80, v4, vm1, $0xb8;
	[tilespmem:$0xC200] =	vst v63  }
0x46: {  	s1 =	simm.s32 $0xC00  }
0x47: {  	[hbm4b:s2+s3] =	stream.indirect_vreg.scatter [tilespmem:s1], [sflag:$0x5], $0x80, v3, vm0, $0xb8;
	[tilespmem:$0xC200] =	vst v63  }
0x48: {  	s6 =	simm.s32 $0x1400  }
0x49: {  	[hbm4b:s4+s3] =	stream.indirect_vreg.scatter [tilespmem:s6], [sflag:$0x5], $0x80, v3, vm1, $0xb8;
	[tilespmem:$0xC200] =	vst v63  }
0x4a: {  	v3 =	vld [tilespmem:$0xC010];
	_ =	sdelay $0x4  }
0x4b: {  	v49 =	vshrl.u32 v3, $0x3  }
0x4c: {  	v4 =	vmul.u32 $0x18, v49  }
0x4d: {  	v3 =	vand.u32 $0x7, v3  }
0x4e: {  	v3 =	vor.u32 v3, v4  }
0x4f: {  	v4 =	vperm.xlane v3, v0;
	_ =	sdelay $0x1  }
0x50: {  	v4 =	vadd.s32 v1, v4;
	_ =	sdelay $0x1  }
0x51: {  	v3 =	vperm.xlane v3, v2;
	_ =	sdelay $0x1  }
0x52: {  	s31 =	simm.s32 $0x1800;
	v3 =	vadd.s32 v1, v3  }
0x53: {  	[hbm4b:s2+s3] =	stream.indirect_vreg.scatter [tilespmem:s31], [sflag:$0x5], $0x80, v4, vm0, $0xb8;
	[tilespmem:$0xC200] =	vst v63  }
0x54: {  	s1 =	simm.s32 $0x2000  }
0x55: {  	[hbm4b:s4+s3] =	stream.indirect_vreg.scatter [tilespmem:s1], [sflag:$0x5], $0x80, v4, vm1, $0xb8;
	[tilespmem:$0xC200] =	vst v63  }
0x56: {  	s6 =	simm.s32 $0x2400  }
0x57: {  	[hbm4b:s2+s3] =	stream.indirect_vreg.scatter [tilespmem:s6], [sflag:$0x5], $0x80, v3, vm0, $0xb8;
	[tilespmem:$0xC200] =	vst v63  }
0x58: {  	s31 =	simm.s32 $0x2C00  }
0x59: {  	[hbm4b:s4+s3] =	stream.indirect_vreg.scatter [tilespmem:s31], [sflag:$0x5], $0x80, v3, vm1, $0xb8;
	[tilespmem:$0xC200] =	vst v63  }
0x5a: {  	_ =	swait.ge [sflag:s23], $0x3000  }
0x5b: {  	[sflag:s23] =	ssyncset.done $0x0  }
0x5c: {  	s1 =	rddreg [dreg:$0xb];
	[sflag:s23] =	ssyncadd.s32 $0xFFFFD000  }
0x5d: {  	[tilespmem:s8], [sflag:$0x9] =	stream.linear.gather [hbm4b:s1+s3], $0x20, $0x38;
	[tilespmem:$0xC200] =	vst v63  }
0x5e: {  	_ =	swait.ge [sflag:s7], $0x20  }
0x5f: {  	[sflag:s7] =	ssyncset.done $0x0  }
0x60: {  	s0 =	simm.s32 $0x2;
	s8 =	rddreg [dreg:$0xc];
	[sflag:s7] =	ssyncadd.s32 $0xFFFFFFE0  }
0x61: {  	[tilespmem:s3], [sflag:$0x1] =	stream.linear.gather [hbm4b:s8+s3], $0x3000, $0x38;
	[tilespmem:$0xC200] =	vst v63  }
0x62: {  	_ =	swait.ge [sflag:s0], $0x3000  }
0x63: {  	[sflag:s0] =	ssyncset.done $0x0  }
0x64: {  	[sflag:s0] =	ssyncadd.s32 $0xFFFFD000  }
0x65: {  	v3 =	vld [tilespmem:$0xC080];
	_ =	sdelay $0x4  }
0x66: {  	v50 =	vshrl.u32 v3, $0x3  }
0x67: {  	v4 =	vmul.u32 $0x18, v50  }
0x68: {  	v3 =	vand.u32 $0x7, v3  }
0x69: {  	v3 =	vor.u32 v3, v4  }
0x6a: {  	v4 =	vperm.xlane v3, v0;
	_ =	sdelay $0x1  }
0x6b: {  	v4 =	vadd.s32 v1, v4;
	_ =	sdelay $0x1  }
0x6c: {  	v3 =	vperm.xlane v3, v2;
	_ =	sdelay $0x1  }
0x6d: {  	v3 =	vadd.s32 v1, v3  }
0x6e: {  	[hbm4b:s2+s3] =	stream.indirect_vreg.scatter [tilespmem:s11], [sflag:$0x6], $0x80, v4, vm0, $0xb8;
	[tilespmem:$0xC200] =	vst v63  }
0x6f: {  	s1 =	simm.s32 $0x3800  }
0x70: {  	[hbm4b:s4+s3] =	stream.indirect_vreg.scatter [tilespmem:s1], [sflag:$0x6], $0x80, v4, vm1, $0xb8;
	[tilespmem:$0xC200] =	vst v63  }
0x71: {  	s31 =	simm.s32 $0x3C00  }
0x72: {  	[hbm4b:s2+s3] =	stream.indirect_vreg.scatter [tilespmem:s31], [sflag:$0x6], $0x80, v3, vm0, $0xb8;
	[tilespmem:$0xC200] =	vst v63  }
0x73: {  	s6 =	simm.s32 $0x4400  }
0x74: {  	[hbm4b:s4+s3] =	stream.indirect_vreg.scatter [tilespmem:s6], [sflag:$0x6], $0x80, v3, vm1, $0xb8;
	[tilespmem:$0xC200] =	vst v63  }
0x75: {  	v3 =	vld [tilespmem:$0xC090];
	_ =	sdelay $0x4  }
0x76: {  	v51 =	vshrl.u32 v3, $0x3  }
0x77: {  	v4 =	vmul.u32 $0x18, v51  }
0x78: {  	v3 =	vand.u32 $0x7, v3  }
0x79: {  	v3 =	vor.u32 v3, v4  }
0x7a: {  	v4 =	vperm.xlane v3, v0;
	_ =	sdelay $0x1  }
0x7b: {  	v4 =	vadd.s32 v1, v4;
	_ =	sdelay $0x1  }
0x7c: {  	v3 =	vperm.xlane v3, v2;
	_ =	sdelay $0x1  }
0x7d: {  	s8 =	simm.s32 $0x4800;
	v3 =	vadd.s32 v1, v3  }
0x7e: {  	[hbm4b:s2+s3] =	stream.indirect_vreg.scatter [tilespmem:s8], [sflag:$0x6], $0x80, v4, vm0, $0xb8;
	[tilespmem:$0xC200] =	vst v63  }
0x7f: {  	s31 =	simm.s32 $0x5000  }
0x80: {  	[hbm4b:s4+s3] =	stream.indirect_vreg.scatter [tilespmem:s31], [sflag:$0x6], $0x80, v4, vm1, $0xb8;
	[tilespmem:$0xC200] =	vst v63  }
0x81: {  	s6 =	simm.s32 $0x5400  }
0x82: {  	[hbm4b:s2+s3] =	stream.indirect_vreg.scatter [tilespmem:s6], [sflag:$0x6], $0x80, v3, vm0, $0xb8;
	[tilespmem:$0xC200] =	vst v63  }
0x83: {  	s8 =	simm.s32 $0x5C00  }
0x84: {  	[hbm4b:s4+s3] =	stream.indirect_vreg.scatter [tilespmem:s8], [sflag:$0x6], $0x80, v3, vm1, $0xb8;
	[tilespmem:$0xC200] =	vst v63  }
0x85: {  	_ =	swait.ge [sflag:s18], $0x3000  }
0x86: {  	[sflag:s18] =	ssyncset.done $0x0  }
0x87: {  	s31 =	rddreg [dreg:$0xd];
	[sflag:s18] =	ssyncadd.s32 $0xFFFFD000  }
0x88: {  	[tilespmem:s10], [sflag:$0x9] =	stream.linear.gather [hbm4b:s31+s3], $0x20, $0x38;
	[tilespmem:$0xC200] =	vst v63  }
0x89: {  	_ =	swait.ge [sflag:s7], $0x20  }
0x8a: {  	[sflag:s7] =	ssyncset.done $0x0  }
0x8b: {  	s10 =	simm.s32 $0x3;
	s1 =	rddreg [dreg:$0xe];
	[sflag:s7] =	ssyncadd.s32 $0xFFFFFFE0  }
0x8c: {  	[tilespmem:s11], [sflag:$0x2] =	stream.linear.gather [hbm4b:s1+s3], $0x3000, $0x38;
	[tilespmem:$0xC200] =	vst v63  }
0x8d: {  	_ =	swait.ge [sflag:s10], $0x3000  }
0x8e: {  	[sflag:s10] =	ssyncset.done $0x0  }
0x8f: {  	[sflag:s10] =	ssyncadd.s32 $0xFFFFD000  }
0x90: {  	v3 =	vld [tilespmem:$0xC100];
	_ =	sdelay $0x4  }
0x91: {  	v52 =	vshrl.u32 v3, $0x3  }
0x92: {  	v4 =	vmul.u32 $0x18, v52  }
0x93: {  	v3 =	vand.u32 $0x7, v3  }
0x94: {  	v3 =	vor.u32 v3, v4  }
0x95: {  	v4 =	vperm.xlane v3, v0;
	_ =	sdelay $0x1  }
0x96: {  	v4 =	vadd.s32 v1, v4;
	_ =	sdelay $0x1  }
0x97: {  	v3 =	vperm.xlane v3, v2;
	_ =	sdelay $0x1  }
0x98: {  	v3 =	vadd.s32 v1, v3  }
0x99: {  	[hbm4b:s2+s3] =	stream.indirect_vreg.scatter [tilespmem:s13], [sflag:$0x7], $0x80, v4, vm0, $0xb8;
	[tilespmem:$0xC200] =	vst v63  }
0x9a: {  	s6 =	simm.s32 $0x6800  }
0x9b: {  	[hbm4b:s4+s3] =	stream.indirect_vreg.scatter [tilespmem:s6], [sflag:$0x7], $0x80, v4, vm1, $0xb8;
	[tilespmem:$0xC200] =	vst v63  }
0x9c: {  	_ = 	snop  }
0x9d: {  	[hbm4b:s2+s3] =	stream.indirect_vreg.scatter [tilespmem:s17], [sflag:$0x7], $0x80, v3, vm0, $0xb8;
	[tilespmem:$0xC200] =	vst v63  }
0x9e: {  	_ = 	snop  }
0x9f: {  	[hbm4b:s4+s3] =	stream.indirect_vreg.scatter [tilespmem:s20], [sflag:$0x7], $0x80, v3, vm1, $0xb8;
	[tilespmem:$0xC200] =	vst v63  }
0xa0: {  	v3 =	vld [tilespmem:$0xC110];
	_ =	sdelay $0x4  }
0xa1: {  	v53 =	vshrl.u32 v3, $0x3  }
0xa2: {  	v4 =	vmul.u32 $0x18, v53  }
0xa3: {  	v3 =	vand.u32 $0x7, v3  }
0xa4: {  	v3 =	vor.u32 v3, v4  }
0xa5: {  	v4 =	vperm.xlane v3, v0;
	_ =	sdelay $0x1  }
0xa6: {  	v4 =	vadd.s32 v1, v4;
	_ =	sdelay $0x1  }
0xa7: {  	v3 =	vperm.xlane v3, v2;
	_ =	sdelay $0x1  }
0xa8: {  	v3 =	vadd.s32 v1, v3  }
0xa9: {  	[hbm4b:s2+s3] =	stream.indirect_vreg.scatter [tilespmem:s21], [sflag:$0x7], $0x80, v4, vm0, $0xb8;
	[tilespmem:$0xC200] =	vst v63  }
0xaa: {  	_ = 	snop  }
0xab: {  	[hbm4b:s4+s3] =	stream.indirect_vreg.scatter [tilespmem:s24], [sflag:$0x7], $0x80, v4, vm1, $0xb8;
	[tilespmem:$0xC200] =	vst v63  }
0xac: {  	_ = 	snop  }
0xad: {  	[hbm4b:s2+s3] =	stream.indirect_vreg.scatter [tilespmem:s25], [sflag:$0x7], $0x80, v3, vm0, $0xb8;
	[tilespmem:$0xC200] =	vst v63  }
0xae: {  	s1 =	simm.s32 $0x7  }
0xaf: {  	[hbm4b:s4+s3] =	stream.indirect_vreg.scatter [tilespmem:s19], [sflag:$0x7], $0x80, v3, vm1, $0xb8;
	[tilespmem:$0xC200] =	vst v63  }
0xb0: {  	_ =	swait.ge [sflag:s1], $0x3000  }
0xb1: {  	[sflag:s1] =	ssyncset.done $0x0  }
0xb2: {  	s8 =	rddreg [dreg:$0xf];
	[sflag:s1] =	ssyncadd.s32 $0xFFFFD000  }
0xb3: {  	[tilespmem:s12], [sflag:$0x9] =	stream.linear.gather [hbm4b:s8+s3], $0x20, $0x38;
	[tilespmem:$0xC200] =	vst v63  }
0xb4: {  	_ =	swait.ge [sflag:s7], $0x20  }
0xb5: {  	[sflag:s7] =	ssyncset.done $0x0  }
0xb6: {  	s12 =	rddreg [dreg:$0x10];
	[sflag:s7] =	ssyncadd.s32 $0xFFFFFFE0  }
0xb7: {  	[tilespmem:s13], [sflag:$0x3] =	stream.linear.gather [hbm4b:s12+s3], $0x3000, $0x38;
	[tilespmem:$0xC200] =	vst v63  }
0xb8: {  	s12 =	simm.s32 $0x4  }
0xb9: {  	_ =	swait.ge [sflag:s12], $0x3000  }
0xba: {  	[sflag:s12] =	ssyncset.done $0x0  }
0xbb: {  	[sflag:s12] =	ssyncadd.s32 $0xFFFFD000  }
0xbc: {  	v3 =	vld [tilespmem:$0xC180];
	_ =	sdelay $0x4  }
0xbd: {  	v54 =	vshrl.u32 v3, $0x3  }
0xbe: {  	v4 =	vmul.u32 $0x18, v54  }
0xbf: {  	v3 =	vand.u32 $0x7, v3  }
0xc0: {  	v3 =	vor.u32 v3, v4  }
0xc1: {  	v4 =	vperm.xlane v3, v0;
	_ =	sdelay $0x1  }
0xc2: {  	v4 =	vadd.s32 v1, v4;
	_ =	sdelay $0x1  }
0xc3: {  	v3 =	vperm.xlane v3, v2;
	_ =	sdelay $0x1  }
0xc4: {  	v3 =	vadd.s32 v1, v3  }
0xc5: {  	[hbm4b:s2+s3] =	stream.indirect_vreg.scatter [tilespmem:s14], [sflag:$0x8], $0x80, v4, vm0, $0xb8;
	[tilespmem:$0xC200] =	vst v63  }
0xc6: {  	s8 =	simm.s32 $0x9800  }
0xc7: {  	[hbm4b:s4+s3] =	stream.indirect_vreg.scatter [tilespmem:s8], [sflag:$0x8], $0x80, v4, vm1, $0xb8;
	[tilespmem:$0xC200] =	vst v63  }
0xc8: {  	_ = 	snop  }
0xc9: {  	[hbm4b:s2+s3] =	stream.indirect_vreg.scatter [tilespmem:s9], [sflag:$0x8], $0x80, v3, vm0, $0xb8;
	[tilespmem:$0xC200] =	vst v63  }
0xca: {  	_ = 	snop  }
0xcb: {  	[hbm4b:s4+s3] =	stream.indirect_vreg.scatter [tilespmem:s30], [sflag:$0x8], $0x80, v3, vm1, $0xb8;
	[tilespmem:$0xC200] =	vst v63  }
0xcc: {  	v3 =	vld [tilespmem:$0xC190];
	_ =	sdelay $0x4  }
0xcd: {  	v55 =	vshrl.u32 v3, $0x3  }
0xce: {  	v4 =	vmul.u32 $0x18, v55  }
0xcf: {  	v3 =	vand.u32 $0x7, v3  }
0xd0: {  	v3 =	vor.u32 v3, v4  }
0xd1: {  	v4 =	vperm.xlane v3, v0;
	_ =	sdelay $0x1  }
0xd2: {  	v4 =	vadd.s32 v1, v4;
	_ =	sdelay $0x1  }
0xd3: {  	v3 =	vperm.xlane v3, v2;
	_ =	sdelay $0x1  }
0xd4: {  	v3 =	vadd.s32 v1, v3  }
0xd5: {  	[hbm4b:s2+s3] =	stream.indirect_vreg.scatter [tilespmem:s15], [sflag:$0x8], $0x80, v4, vm0, $0xb8;
	[tilespmem:$0xC200] =	vst v63  }
0xd6: {  	_ = 	snop  }
0xd7: {  	[hbm4b:s4+s3] =	stream.indirect_vreg.scatter [tilespmem:s26], [sflag:$0x8], $0x80, v4, vm1, $0xb8;
	[tilespmem:$0xC200] =	vst v63  }
0xd8: {  	_ = 	snop  }
0xd9: {  	[hbm4b:s2+s3] =	stream.indirect_vreg.scatter [tilespmem:s28], [sflag:$0x8], $0x80, v3, vm0, $0xb8;
	[tilespmem:$0xC200] =	vst v63  }
0xda: {  	_ = 	snop  }
0xdb: {  	[hbm4b:s4+s3] =	stream.indirect_vreg.scatter [tilespmem:s29], [sflag:$0x8], $0x80, v3, vm1, $0xb8;
	[tilespmem:$0xC200] =	vst v63  }
0xdc: {  	_ =	swait.ge [sflag:s5], $0x3000  }
0xdd: {  	[sflag:s5] =	ssyncset.done $0x0  }
0xde: {  	s31 =	simm.s32 $0xC180;
	s6 =	rddreg [dreg:$0x11];
	[sflag:s5] =	ssyncadd.s32 $0xFFFFD000  }
0xdf: {  	[tilespmem:s31], [sflag:$0x9] =	stream.linear.gather [hbm4b:s6+s3], $0x20, $0x38;
	[tilespmem:$0xC200] =	vst v63  }
0xe0: {  	_ =	swait.ge [sflag:s7], $0x20  }
0xe1: {  	[sflag:s7] =	ssyncset.done $0x0  }
0xe2: {  	s31 =	rddreg [dreg:$0x12];
	[sflag:s7] =	ssyncadd.s32 $0xFFFFFFE0  }
0xe3: {  	[tilespmem:s14], [sflag:$0x4] =	stream.linear.gather [hbm4b:s31+s3], $0x3000, $0x38;
	[tilespmem:$0xC200] =	vst v63  }
0xe4: {  	_ =	swait.ge [sflag:s22], $0x3000  }
0xe5: {  	[sflag:s22] =	ssyncset.done $0x0  }
0xe6: {  	[sflag:s22] =	ssyncadd.s32 $0xFFFFD000  }
0xe7: {  	v3 =	vld [tilespmem:$0xC000];
	_ =	sdelay $0x4  }
0xe8: {  	v56 =	vshrl.u32 v3, $0x3  }
0xe9: {  	v4 =	vmul.u32 $0x18, v56  }
0xea: {  	v3 =	vand.u32 $0x7, v3  }
0xeb: {  	v3 =	vor.u32 v3, v4  }
0xec: {  	v4 =	vperm.xlane v3, v0;
	_ =	sdelay $0x1  }
0xed: {  	v4 =	vadd.s32 v1, v4;
	_ =	sdelay $0x1  }
0xee: {  	v3 =	vperm.xlane v3, v2;
	_ =	sdelay $0x1  }
0xef: {  	v3 =	vadd.s32 v1, v3  }
0xf0: {  	[hbm4b:s2+s3] =	stream.indirect_vreg.scatter [tilespmem:s3], [sflag:$0x5], $0x80, v4, vm0, $0xb8;
	[tilespmem:$0xC200] =	vst v63  }
0xf1: {  	s6 =	simm.s32 $0x800  }
0xf2: {  	[hbm4b:s4+s3] =	stream.indirect_vreg.scatter [tilespmem:s6], [sflag:$0x5], $0x80, v4, vm1, $0xb8;
	[tilespmem:$0xC200] =	vst v63  }
0xf3: {  	s6 =	simm.s32 $0xC00  }
0xf4: {  	[hbm4b:s2+s3] =	stream.indirect_vreg.scatter [tilespmem:s6], [sflag:$0x5], $0x80, v3, vm0, $0xb8;
	[tilespmem:$0xC200] =	vst v63  }
0xf5: {  	s6 =	simm.s32 $0x1400  }
0xf6: {  	[hbm4b:s4+s3] =	stream.indirect_vreg.scatter [tilespmem:s6], [sflag:$0x5], $0x80, v3, vm1, $0xb8;
	[tilespmem:$0xC200] =	vst v63  }
0xf7: {  	v3 =	vld [tilespmem:$0xC010];
	_ =	sdelay $0x4  }
0xf8: {  	v57 =	vshrl.u32 v3, $0x3  }
0xf9: {  	v4 =	vmul.u32 $0x18, v57  }
0xfa: {  	v3 =	vand.u32 $0x7, v3  }
0xfb: {  	v3 =	vor.u32 v3, v4  }
0xfc: {  	v4 =	vperm.xlane v3, v0;
	_ =	sdelay $0x1  }
0xfd: {  	v4 =	vadd.s32 v1, v4;
	_ =	sdelay $0x1  }
0xfe: {  	v3 =	vperm.xlane v3, v2;
	_ =	sdelay $0x1  }
0xff: {  	s6 =	simm.s32 $0x1800;
	v3 =	vadd.s32 v1, v3  }
0x100: {  	[hbm4b:s2+s3] =	stream.indirect_vreg.scatter [tilespmem:s6], [sflag:$0x5], $0x80, v4, vm0, $0xb8;
	[tilespmem:$0xC200] =	vst v63  }
0x101: {  	s6 =	simm.s32 $0x2000  }
0x102: {  	[hbm4b:s4+s3] =	stream.indirect_vreg.scatter [tilespmem:s6], [sflag:$0x5], $0x80, v4, vm1, $0xb8;
	[tilespmem:$0xC200] =	vst v63  }
0x103: {  	s6 =	simm.s32 $0x2400  }
0x104: {  	[hbm4b:s2+s3] =	stream.indirect_vreg.scatter [tilespmem:s6], [sflag:$0x5], $0x80, v3, vm0, $0xb8;
	[tilespmem:$0xC200] =	vst v63  }
0x105: {  	s6 =	simm.s32 $0x2C00  }
0x106: {  	[hbm4b:s4+s3] =	stream.indirect_vreg.scatter [tilespmem:s6], [sflag:$0x5], $0x80, v3, vm1, $0xb8;
	[tilespmem:$0xC200] =	vst v63  }
0x107: {  	_ =	swait.ge [sflag:s0], $0x3000  }
0x108: {  	[sflag:s0] =	ssyncset.done $0x0  }
0x109: {  	[sflag:s0] =	ssyncadd.s32 $0xFFFFD000  }
0x10a: {  	v3 =	vld [tilespmem:$0xC080];
	_ =	sdelay $0x4  }
0x10b: {  	v58 =	vshrl.u32 v3, $0x3  }
0x10c: {  	v4 =	vmul.u32 $0x18, v58  }
0x10d: {  	v3 =	vand.u32 $0x7, v3  }
0x10e: {  	v3 =	vor.u32 v3, v4  }
0x10f: {  	v4 =	vperm.xlane v3, v0;
	_ =	sdelay $0x1  }
0x110: {  	v4 =	vadd.s32 v1, v4;
	_ =	sdelay $0x1  }
0x111: {  	v3 =	vperm.xlane v3, v2;
	_ =	sdelay $0x1  }
0x112: {  	v3 =	vadd.s32 v1, v3  }
0x113: {  	[hbm4b:s2+s3] =	stream.indirect_vreg.scatter [tilespmem:s11], [sflag:$0x6], $0x80, v4, vm0, $0xb8;
	[tilespmem:$0xC200] =	vst v63  }
0x114: {  	s6 =	simm.s32 $0x3800  }
0x115: {  	[hbm4b:s4+s3] =	stream.indirect_vreg.scatter [tilespmem:s6], [sflag:$0x6], $0x80, v4, vm1, $0xb8;
	[tilespmem:$0xC200] =	vst v63  }
0x116: {  	s6 =	simm.s32 $0x3C00  }
0x117: {  	[hbm4b:s2+s3] =	stream.indirect_vreg.scatter [tilespmem:s6], [sflag:$0x6], $0x80, v3, vm0, $0xb8;
	[tilespmem:$0xC200] =	vst v63  }
0x118: {  	s6 =	simm.s32 $0x4400  }
0x119: {  	[hbm4b:s4+s3] =	stream.indirect_vreg.scatter [tilespmem:s6], [sflag:$0x6], $0x80, v3, vm1, $0xb8;
	[tilespmem:$0xC200] =	vst v63  }
0x11a: {  	v3 =	vld [tilespmem:$0xC090];
	_ =	sdelay $0x4  }
0x11b: {  	v59 =	vshrl.u32 v3, $0x3  }
0x11c: {  	v4 =	vmul.u32 $0x18, v59  }
0x11d: {  	v3 =	vand.u32 $0x7, v3  }
0x11e: {  	v3 =	vor.u32 v3, v4  }
0x11f: {  	v4 =	vperm.xlane v3, v0;
	_ =	sdelay $0x1  }
0x120: {  	v4 =	vadd.s32 v1, v4;
	_ =	sdelay $0x1  }
0x121: {  	v3 =	vperm.xlane v3, v2;
	_ =	sdelay $0x1  }
0x122: {  	s6 =	simm.s32 $0x4800;
	v3 =	vadd.s32 v1, v3  }
0x123: {  	[hbm4b:s2+s3] =	stream.indirect_vreg.scatter [tilespmem:s6], [sflag:$0x6], $0x80, v4, vm0, $0xb8;
	[tilespmem:$0xC200] =	vst v63  }
0x124: {  	s6 =	simm.s32 $0x5000  }
0x125: {  	[hbm4b:s4+s3] =	stream.indirect_vreg.scatter [tilespmem:s6], [sflag:$0x6], $0x80, v4, vm1, $0xb8;
	[tilespmem:$0xC200] =	vst v63  }
0x126: {  	s6 =	simm.s32 $0x5400  }
0x127: {  	[hbm4b:s2+s3] =	stream.indirect_vreg.scatter [tilespmem:s6], [sflag:$0x6], $0x80, v3, vm0, $0xb8;
	[tilespmem:$0xC200] =	vst v63  }
0x128: {  	s6 =	simm.s32 $0x5C00  }
0x129: {  	[hbm4b:s4+s3] =	stream.indirect_vreg.scatter [tilespmem:s6], [sflag:$0x6], $0x80, v3, vm1, $0xb8;
	[tilespmem:$0xC200] =	vst v63  }
0x12a: {  	_ =	swait.ge [sflag:s10], $0x3000  }
0x12b: {  	[sflag:s10] =	ssyncset.done $0x0  }
0x12c: {  	[sflag:s10] =	ssyncadd.s32 $0xFFFFD000  }
0x12d: {  	v3 =	vld [tilespmem:$0xC100];
	_ =	sdelay $0x4  }
0x12e: {  	v60 =	vshrl.u32 v3, $0x3  }
0x12f: {  	v4 =	vmul.u32 $0x18, v60  }
0x130: {  	v3 =	vand.u32 $0x7, v3  }
0x131: {  	v3 =	vor.u32 v3, v4  }
0x132: {  	v4 =	vperm.xlane v3, v0;
	_ =	sdelay $0x1  }
0x133: {  	v4 =	vadd.s32 v1, v4;
	_ =	sdelay $0x1  }
0x134: {  	v3 =	vperm.xlane v3, v2;
	_ =	sdelay $0x1  }
0x135: {  	v3 =	vadd.s32 v1, v3  }
0x136: {  	[hbm4b:s2+s3] =	stream.indirect_vreg.scatter [tilespmem:s13], [sflag:$0x7], $0x80, v4, vm0, $0xb8;
	[tilespmem:$0xC200] =	vst v63  }
0x137: {  	s10 =	simm.s32 $0x6800  }
0x138: {  	[hbm4b:s4+s3] =	stream.indirect_vreg.scatter [tilespmem:s10], [sflag:$0x7], $0x80, v4, vm1, $0xb8;
	[tilespmem:$0xC200] =	vst v63  }
0x139: {  	_ = 	snop  }
0x13a: {  	[hbm4b:s2+s3] =	stream.indirect_vreg.scatter [tilespmem:s17], [sflag:$0x7], $0x80, v3, vm0, $0xb8;
	[tilespmem:$0xC200] =	vst v63  }
0x13b: {  	_ = 	snop  }
0x13c: {  	[hbm4b:s4+s3] =	stream.indirect_vreg.scatter [tilespmem:s20], [sflag:$0x7], $0x80, v3, vm1, $0xb8;
	[tilespmem:$0xC200] =	vst v63  }
0x13d: {  	v3 =	vld [tilespmem:$0xC110];
	_ =	sdelay $0x4  }
0x13e: {  	v61 =	vshrl.u32 v3, $0x3  }
0x13f: {  	v4 =	vmul.u32 $0x18, v61  }
0x140: {  	v3 =	vand.u32 $0x7, v3  }
0x141: {  	v3 =	vor.u32 v3, v4  }
0x142: {  	v4 =	vperm.xlane v3, v0;
	_ =	sdelay $0x1  }
0x143: {  	v4 =	vadd.s32 v1, v4;
	_ =	sdelay $0x1  }
0x144: {  	v3 =	vperm.xlane v3, v2;
	_ =	sdelay $0x1  }
0x145: {  	v3 =	vadd.s32 v1, v3  }
0x146: {  	[hbm4b:s2+s3] =	stream.indirect_vreg.scatter [tilespmem:s21], [sflag:$0x7], $0x80, v4, vm0, $0xb8;
	[tilespmem:$0xC200] =	vst v63  }
0x147: {  	_ = 	snop  }
0x148: {  	[hbm4b:s4+s3] =	stream.indirect_vreg.scatter [tilespmem:s24], [sflag:$0x7], $0x80, v4, vm1, $0xb8;
	[tilespmem:$0xC200] =	vst v63  }
0x149: {  	_ = 	snop  }
0x14a: {  	[hbm4b:s2+s3] =	stream.indirect_vreg.scatter [tilespmem:s25], [sflag:$0x7], $0x80, v3, vm0, $0xb8;
	[tilespmem:$0xC200] =	vst v63  }
0x14b: {  	_ = 	snop  }
0x14c: {  	[hbm4b:s4+s3] =	stream.indirect_vreg.scatter [tilespmem:s19], [sflag:$0x7], $0x80, v3, vm1, $0xb8;
	[tilespmem:$0xC200] =	vst v63  }
0x14d: {  	_ =	swait.ge [sflag:s12], $0x3000  }
0x14e: {  	[sflag:s12] =	ssyncset.done $0x0  }
0x14f: {  	[sflag:s12] =	ssyncadd.s32 $0xFFFFD000  }
0x150: {  	v3 =	vld [tilespmem:$0xC180];
	_ =	sdelay $0x4  }
0x151: {  	v62 =	vshrl.u32 v3, $0x3  }
0x152: {  	v4 =	vmul.u32 $0x18, v62  }
0x153: {  	v3 =	vand.u32 $0x7, v3  }
0x154: {  	v3 =	vor.u32 v3, v4  }
0x155: {  	v4 =	vperm.xlane v3, v0;
	_ =	sdelay $0x1  }
0x156: {  	v4 =	vadd.s32 v1, v4;
	_ =	sdelay $0x1  }
0x157: {  	v3 =	vperm.xlane v3, v2;
	_ =	sdelay $0x1  }
0x158: {  	s31 =	simm.s32 $0x9000;
	v3 =	vadd.s32 v1, v3  }
0x159: {  	[hbm4b:s2+s3] =	stream.indirect_vreg.scatter [tilespmem:s31], [sflag:$0x8], $0x80, v4, vm0, $0xb8;
	[tilespmem:$0xC200] =	vst v63  }
0x15a: {  	_ = 	snop  }
0x15b: {  	[hbm4b:s4+s3] =	stream.indirect_vreg.scatter [tilespmem:s8], [sflag:$0x8], $0x80, v4, vm1, $0xb8;
	[tilespmem:$0xC200] =	vst v63  }
0x15c: {  	_ = 	snop  }
0x15d: {  	[hbm4b:s2+s3] =	stream.indirect_vreg.scatter [tilespmem:s9], [sflag:$0x8], $0x80, v3, vm0, $0xb8;
	[tilespmem:$0xC200] =	vst v63  }
0x15e: {  	_ = 	snop  }
0x15f: {  	[hbm4b:s4+s3] =	stream.indirect_vreg.scatter [tilespmem:s30], [sflag:$0x8], $0x80, v3, vm1, $0xb8;
	[tilespmem:$0xC200] =	vst v63  }
0x160: {  	v3 =	vld [tilespmem:$0xC190];
	_ =	sdelay $0x4  }
0x161: {  	v63 =	vshrl.u32 v3, $0x3  }
0x162: {  	v4 =	vmul.u32 $0x18, v63  }
0x163: {  	v3 =	vand.u32 $0x7, v3  }
0x164: {  	v3 =	vor.u32 v3, v4  }
0x165: {  	v4 =	vperm.xlane v3, v0;
	_ =	sdelay $0x1  }
0x166: {  	v4 =	vadd.s32 v1, v4;
	_ =	sdelay $0x1  }
0x167: {  	v3 =	vperm.xlane v3, v2;
	_ =	sdelay $0x1  }
0x168: {  	v3 =	vadd.s32 v1, v3  }
0x169: {  	[hbm4b:s2+s3] =	stream.indirect_vreg.scatter [tilespmem:s15], [sflag:$0x8], $0x80, v4, vm0, $0xb8;
	[tilespmem:$0xC200] =	vst v63  }
0x16a: {  	_ = 	snop  }
0x16b: {  	[hbm4b:s4+s3] =	stream.indirect_vreg.scatter [tilespmem:s26], [sflag:$0x8], $0x80, v4, vm1, $0xb8;
	[tilespmem:$0xC200] =	vst v63  }
0x16c: {  	_ = 	snop  }
0x16d: {  	[hbm4b:s2+s3] =	stream.indirect_vreg.scatter [tilespmem:s28], [sflag:$0x8], $0x80, v3, vm0, $0xb8;
	[tilespmem:$0xC200] =	vst v63  }
0x16e: {  	_ = 	snop  }
0x16f: {  	[hbm4b:s4+s3] =	stream.indirect_vreg.scatter [tilespmem:s29], [sflag:$0x8], $0x80, v3, vm1, $0xb8;
	[tilespmem:$0xC200] =	vst v63  }
0x170: {  	_ =	swait.ge [sflag:s23], $0x3000  }
0x171: {  	[sflag:s23] =	ssyncset.done $0x0  }
0x172: {  	[sflag:s23] =	ssyncadd.s32 $0xFFFFD000  }
0x173: {  	_ =	swait.ge [sflag:s18], $0x3000  }
0x174: {  	[sflag:s18] =	ssyncset.done $0x0  }
0x175: {  	[sflag:s18] =	ssyncadd.s32 $0xFFFFD000  }
0x176: {  	p0 =	sne.s32 s16, $0x1;
	_ =	swait.ge [sflag:s1], $0x3000  }
.Ltmp0:
0x177: {  	[sflag:s1] =	ssyncset.done $0x0;
	(pc) =	sbr.rel @p0 .LBB2_1-.Ltmp0, $4  }
0x178: {  	[sflag:s1] =	ssyncadd.s32 $0xFFFFD000  }
0x179: {  	_ =	swait.ge [sflag:s5], $0x3000  }
0x17a: {  	[sflag:s5] =	ssyncset.done $0x0  }
0x17b: {  	s16 =	sadd.s32 $0xFFFFFFFF, s16;
	[sflag:s5] =	ssyncadd.s32 $0xFFFFD000  }
0x17c: {  	_ =	sfence.sel $0x180000  }
0x17d: {  	[bflag:$0x0] =	sbarrier.arrive $0xFFFF  }
0x17e: {  	_ =	strace $0x90000047  }
0x17f: {  	s0 =	stileid.u32;
	[bflag:$0x2] =	sbarrier.arrive $0xFFFF  }
0x180: {  	p0 =	sne.s32 s0, $0x0;
	s0 =	rddreg [dreg:$0x2]  }
0x181: {  	s0 =	sadd.s32 @!p0 $0x100000, s0  }
0x182: {  	[sflag:s0] =	ssyncadd.tile.s32 @!p0 $0x1;
	_ =	shalt  }
.Lfunc_end2:
_tile_overlayer_lowered:
.L_overlay_start_2:
0x183: {  	(tag) =	ssettag $0x2  }
0x184: {  	s0 =	rddreg [dreg:$0x0];
	s2 =	stileid.u32  }
0x185: {  	s1 =	rddreg [dreg:$0x1];
	p0 =	sne.s32 s2, $0x0  }
0x186: {  	s3 =	rddreg [dreg:$0x2];
	[bflag:$0x3] =	sbarrier.arrive $0xFFFF;
	s2 =	simm.s32 @!p0 $0x1C09  }
0x187: {  	[timem:s3], [sflag:s2] =	dma.local @!p0 [hbm:s0], s1  }
0x188: {  	s0 =	simm.s32 @!p0 $0x9  }
0x189: {  	_ =	swait.ge @!p0 [sflag:s0], s1  }
0x18a: {  	s1 =	ssub.s32 @!p0 $0x0, s1;
	[sflag:s0] =	ssyncset.done @!p0 $0x0  }
0x18b: {  	[sflag:s0] =	ssyncadd.s32 @!p0 s1  }
0x18c: {  	[bflag:$0x3] =	sbarrier.arrive $0xFFFF  }
0x18d: {  	_ =	shalt  }

</sc_bundles>
